<compile_context>
chip_gen: v7x
topology: tpu7x:2x2x1
jax: 0.10.2.dev20260603
libtpu: 0.0.44.dev20260713+nightly
codegen_flags: <defaults>
</compile_context>

<pallas_src>
import functools

import jax
import jax.numpy as jnp
from jax import lax
from jax.experimental import pallas as pl
from jax.experimental.pallas import tpu as pltpu
from jax.experimental.pallas import tpu_sc as plsc

NC = 2
NS = 16
NW = NC * NS
G = 128
CH = 256
NSLOT = 5


def _build(n, d):
  ipw = n // NW
  nch = ipw // CH
  mesh = plsc.VectorSubcoreMesh(core_axis_name="c", subcore_axis_name="s")

  @functools.partial(
      pl.kernel,
      out_type=jax.ShapeDtypeStruct((n, d), jnp.float32),
      mesh=mesh,
      compiler_params=pltpu.CompilerParams(use_tc_tiling_on_sc=False),
      scratch_types=[
          pltpu.VMEM((ipw,), jnp.int32),
          pltpu.VMEM((NSLOT, CH, d), jnp.float32),
      ] + [pltpu.SemaphoreType.DMA] * (2 * NSLOT),
  )
  def k(idx_hbm, table_hbm, out_hbm, idx_v, rows_v, *sems):
    gsem = sems[:NSLOT]
    wsem = sems[NSLOT:]
    wid = lax.axis_index("s") * NC + lax.axis_index("c")
    base = wid * ipw
    pltpu.sync_copy(idx_hbm.at[pl.ds(base, ipw)], idx_v)

    def fire(c, s):
      for j in range(CH // G):
        pltpu.async_copy(
            table_hbm.at[idx_v.at[pl.ds(c * CH + j * G, G)]],
            rows_v.at[s, pl.ds(j * G, G)], gsem[s])

    def drain(dc, s_d):
      pltpu.make_async_copy(
          out_hbm.at[pl.ds(0, CH)], rows_v.at[s_d], gsem[s_d]).wait()
      pltpu.async_copy(
          rows_v.at[s_d], out_hbm.at[pl.ds(base + dc * CH, CH)], wsem[s_d])

    for s in range(NSLOT):
      fire(s, s)
      if s == NSLOT - 1:
        drain(0, 0)

    def body(t, carry):
      for s in range(NSLOT):
        c = t * NSLOT + s
        pltpu.make_async_copy(
            rows_v.at[s], out_hbm.at[pl.ds(0, CH)], wsem[s]).wait()
        fire(c, s)
        drain(c - (NSLOT - 1), (s + 1) % NSLOT)
      return carry

    lax.fori_loop(1, nch // NSLOT, body, 0)

    for q in range(NSLOT - 1):
      dc = nch - (NSLOT - 1) + q
      drain(dc, dc % NSLOT)
    for s in range(NSLOT):
      pltpu.make_async_copy(
          rows_v.at[s], out_hbm.at[pl.ds(0, CH)], wsem[s]).wait()

  return k


def kernel(indices, table):
  n = indices.size
  d = table.shape[1]
  out = _build(n, d)(indices.reshape(n), table)
  return out.reshape(*indices.shape, d)

# --- scband reference (transcript-rebuilt; emitter-appended) ---
"""Pipeline reference for scband-transformer-embedding-48988396978791 (READ-ONLY COPY).

The authoritative reference and input builder live on the scoring server;
editing this copy changes nothing except your own understanding.
"""

import jax, jax.numpy as jnp
import numpy as np

NUM_EMBEDDINGS = 1000000
EMBEDDING_DIM = 64


def setup_inputs(seed: int = 0) -> dict:
    key = jax.random.key(seed)
    k_idx, k_tab = jax.random.split(key)
    indices = jax.random.randint(k_idx, (4096, 200), 0, NUM_EMBEDDINGS)
    table = jax.random.normal(k_tab, (NUM_EMBEDDINGS, EMBEDDING_DIM), dtype=jnp.float32) * 0.02
    return {"indices": indices, "table": table}


def reference(indices, table):
    # TransformerEmbedding forward: token-id -> embedding row gather
    out = jnp.take(table, indices, axis=0)
    return out

if __name__ == "__main__":
    import jax
    _d = setup_inputs()
    print(jax.jit(kernel)(*tuple(_d.values())))

</pallas_src>

<mosaic_0001>
#map = affine_map<(d0, d1) -> (0)>
#map1 = affine_map<(d0, d1) -> (0, 0)>
module attributes {stable_mosaic.version = 14 : i64} {
  func.func @k(%arg0: i32, %arg1: i32, %arg2: memref<819200xi32, #tpu.memory_space<hbm>>, %arg3: memref<1000000x64xf32, #tpu.memory_space<hbm>>, %arg4: memref<819200x64xf32, #tpu.memory_space<hbm>>, %arg5: memref<25600xi32, #tpu.memory_space<vmem>>, %arg6: memref<5x256x64xf32, #tpu.memory_space<vmem>>, %arg7: memref<!tpu.dma_semaphore, #tpu.memory_space<semaphore_mem>>, %arg8: memref<!tpu.dma_semaphore, #tpu.memory_space<semaphore_mem>>, %arg9: memref<!tpu.dma_semaphore, #tpu.memory_space<semaphore_mem>>, %arg10: memref<!tpu.dma_semaphore, #tpu.memory_space<semaphore_mem>>, %arg11: memref<!tpu.dma_semaphore, #tpu.memory_space<semaphore_mem>>, %arg12: memref<!tpu.dma_semaphore, #tpu.memory_space<semaphore_mem>>, %arg13: memref<!tpu.dma_semaphore, #tpu.memory_space<semaphore_mem>>, %arg14: memref<!tpu.dma_semaphore, #tpu.memory_space<semaphore_mem>>, %arg15: memref<!tpu.dma_semaphore, #tpu.memory_space<semaphore_mem>>, %arg16: memref<!tpu.dma_semaphore, #tpu.memory_space<semaphore_mem>>) attributes {dimension_semantics = [#tpu.dimension_semantics<core_parallel>, #tpu.dimension_semantics<subcore_parallel>], iteration_bounds = array<i64: 2, 16>, scalar_prefetch = 0 : i64, scratch_operands = 12 : i64, tpu.core_type = #tpu.core_type<sc_vector_subcore>, window_params = [{transform_indices = #map}, {transform_indices = #map1}, {transform_indices = #map1}]} {
    %mul3A = arith.constant 2 : i32
    %mul3A_0 = arith.muli %arg1, %mul3A : i32
    %add3A = arith.addi %mul3A_0, %arg0 : i32
    %mul3A_1 = arith.constant 25600 : i32
    %mul3A_2 = arith.muli %add3A, %mul3A_1 : i32
    "tpu.region"() ({
      %run_scoped3A = tpu.sem_alloc : memref<!tpu.dma_semaphore, #tpu.memory_space<semaphore_mem>>
      %dma_start3A_331 = tpu.memref_slice %arg2[%mul3A_2] : memref<819200xi32, #tpu.memory_space<hbm>> -> memref<25600xi32, #tpu.memory_space<hbm>>
      %dma_start3A_332 = tpu.memref_slice %arg2[%mul3A_2] : memref<819200xi32, #tpu.memory_space<hbm>> -> memref<25600xi32, #tpu.memory_space<hbm>>
      tpu.enqueue_dma source(%dma_start3A_332 : memref<25600xi32, #tpu.memory_space<hbm>>) target(%arg5 : memref<25600xi32, #tpu.memory_space<vmem>>) target_semaphore(%run_scoped3A : memref<!tpu.dma_semaphore, #tpu.memory_space<semaphore_mem>>)
      %dma_wait3A_333 = tpu.memref_slice %arg2[%mul3A_2] : memref<819200xi32, #tpu.memory_space<hbm>> -> memref<25600xi32, #tpu.memory_space<hbm>>
      %dma_wait3A_334 = tpu.memref_slice %arg2[%mul3A_2] : memref<819200xi32, #tpu.memory_space<hbm>> -> memref<25600xi32, #tpu.memory_space<hbm>>
      tpu.wait_dma2 semaphore(%run_scoped3A : memref<!tpu.dma_semaphore, #tpu.memory_space<semaphore_mem>>) src(%dma_wait3A_334 : memref<25600xi32, #tpu.memory_space<hbm>>) dst(%arg5 : memref<25600xi32, #tpu.memory_space<vmem>>)
      tpu.yield
    }) : () -> ()
    %dma_start3A = arith.constant 0 : i32
    %dma_start3A_3 = arith.constant 0 : i32
    %dma_start3A_4 = arith.constant 0 : i32
    %dma_start3A_5 = tpu.memref_slice %arg6[%dma_start3A, %dma_start3A_3, %dma_start3A_4] : memref<5x256x64xf32, #tpu.memory_space<vmem>> -> memref<1x128x64xf32, #tpu.memory_space<vmem>>
    %dma_start3A_6 = tpu.memref_squeeze %dma_start3A_5 : memref<1x128x64xf32, #tpu.memory_space<vmem>> -> memref<128x64xf32, #tpu.memory_space<vmem>>
    %dma_start3A_7 = arith.constant 0 : i32
    %dma_start3A_8 = tpu.memref_slice %arg5[%dma_start3A_7] : memref<25600xi32, #tpu.memory_space<vmem>> -> memref<128xi32, #tpu.memory_space<vmem>>
    %dma_start3A_9 = arith.constant 0 : i32
    %dma_start3A_10 = arith.constant 0 : i32
    %dma_start3A_11 = tpu.memref_slice %arg3[%dma_start3A_9, %dma_start3A_10] : memref<1000000x64xf32, #tpu.memory_space<hbm>> -> memref<1000000x64xf32, #tpu.memory_space<hbm>>
    tpu.enqueue_indirect_dma source(%dma_start3A_11 : memref<1000000x64xf32, #tpu.memory_space<hbm>>) target(%dma_start3A_6 : memref<128x64xf32, #tpu.memory_space<vmem>>) offsets(%dma_start3A_8 : memref<128xi32, #tpu.memory_space<vmem>>) semaphore(%arg7 : memref<!tpu.dma_semaphore, #tpu.memory_space<semaphore_mem>>)
    %dma_start3A_12 = arith.constant 0 : i32
    %dma_start3A_13 = arith.constant 128 : i32
    %dma_start3A_14 = arith.constant 0 : i32
    %dma_start3A_15 = tpu.memref_slice %arg6[%dma_start3A_12, %dma_start3A_13, %dma_start3A_14] : memref<5x256x64xf32, #tpu.memory_space<vmem>> -> memref<1x128x64xf32, #tpu.memory_space<vmem>>
    %dma_start3A_16 = tpu.memref_squeeze %dma_start3A_15 : memref<1x128x64xf32, #tpu.memory_space<vmem>> -> memref<128x64xf32, #tpu.memory_space<vmem>>
    %dma_start3A_17 = arith.constant 128 : i32
    %dma_start3A_18 = tpu.memref_slice %arg5[%dma_start3A_17] : memref<25600xi32, #tpu.memory_space<vmem>> -> memref<128xi32, #tpu.memory_space<vmem>>
    %dma_start3A_19 = arith.constant 0 : i32
    %dma_start3A_20 = arith.constant 0 : i32
    %dma_start3A_21 = tpu.memref_slice %arg3[%dma_start3A_19, %dma_start3A_20] : memref<1000000x64xf32, #tpu.memory_space<hbm>> -> memref<1000000x64xf32, #tpu.memory_space<hbm>>
    tpu.enqueue_indirect_dma source(%dma_start3A_21 : memref<1000000x64xf32, #tpu.memory_space<hbm>>) target(%dma_start3A_16 : memref<128x64xf32, #tpu.memory_space<vmem>>) offsets(%dma_start3A_18 : memref<128xi32, #tpu.memory_space<vmem>>) semaphore(%arg7 : memref<!tpu.dma_semaphore, #tpu.memory_space<semaphore_mem>>)
    %dma_start3A_22 = arith.constant 1 : i32
    %dma_start3A_23 = arith.constant 0 : i32
    %dma_start3A_24 = arith.constant 0 : i32
    %dma_start3A_25 = tpu.memref_slice %arg6[%dma_start3A_22, %dma_start3A_23, %dma_start3A_24] : memref<5x256x64xf32, #tpu.memory_space<vmem>> -> memref<1x128x64xf32, #tpu.memory_space<vmem>>
    %dma_start3A_26 = tpu.memref_squeeze %dma_start3A_25 : memref<1x128x64xf32, #tpu.memory_space<vmem>> -> memref<128x64xf32, #tpu.memory_space<vmem>>
    %dma_start3A_27 = arith.constant 256 : i32
    %dma_start3A_28 = tpu.memref_slice %arg5[%dma_start3A_27] : memref<25600xi32, #tpu.memory_space<vmem>> -> memref<128xi32, #tpu.memory_space<vmem>>
    %dma_start3A_29 = arith.constant 0 : i32
    %dma_start3A_30 = arith.constant 0 : i32
    %dma_start3A_31 = tpu.memref_slice %arg3[%dma_start3A_29, %dma_start3A_30] : memref<1000000x64xf32, #tpu.memory_space<hbm>> -> memref<1000000x64xf32, #tpu.memory_space<hbm>>
    tpu.enqueue_indirect_dma source(%dma_start3A_31 : memref<1000000x64xf32, #tpu.memory_space<hbm>>) target(%dma_start3A_26 : memref<128x64xf32, #tpu.memory_space<vmem>>) offsets(%dma_start3A_28 : memref<128xi32, #tpu.memory_space<vmem>>) semaphore(%arg8 : memref<!tpu.dma_semaphore, #tpu.memory_space<semaphore_mem>>)
    %dma_start3A_32 = arith.constant 1 : i32
    %dma_start3A_33 = arith.constant 128 : i32
    %dma_start3A_34 = arith.constant 0 : i32
    %dma_start3A_35 = tpu.memref_slice %arg6[%dma_start3A_32, %dma_start3A_33, %dma_start3A_34] : memref<5x256x64xf32, #tpu.memory_space<vmem>> -> memref<1x128x64xf32, #tpu.memory_space<vmem>>
    %dma_start3A_36 = tpu.memref_squeeze %dma_start3A_35 : memref<1x128x64xf32, #tpu.memory_space<vmem>> -> memref<128x64xf32, #tpu.memory_space<vmem>>
    %dma_start3A_37 = arith.constant 384 : i32
    %dma_start3A_38 = tpu.memref_slice %arg5[%dma_start3A_37] : memref<25600xi32, #tpu.memory_space<vmem>> -> memref<128xi32, #tpu.memory_space<vmem>>
    %dma_start3A_39 = arith.constant 0 : i32
    %dma_start3A_40 = arith.constant 0 : i32
    %dma_start3A_41 = tpu.memref_slice %arg3[%dma_start3A_39, %dma_start3A_40] : memref<1000000x64xf32, #tpu.memory_space<hbm>> -> memref<1000000x64xf32, #tpu.memory_space<hbm>>
    tpu.enqueue_indirect_dma source(%dma_start3A_41 : memref<1000000x64xf32, #tpu.memory_space<hbm>>) target(%dma_start3A_36 : memref<128x64xf32, #tpu.memory_space<vmem>>) offsets(%dma_start3A_38 : memref<128xi32, #tpu.memory_space<vmem>>) semaphore(%arg8 : memref<!tpu.dma_semaphore, #tpu.memory_space<semaphore_mem>>)
    %dma_start3A_42 = arith.constant 2 : i32
    %dma_start3A_43 = arith.constant 0 : i32
    %dma_start3A_44 = arith.constant 0 : i32
    %dma_start3A_45 = tpu.memref_slice %arg6[%dma_start3A_42, %dma_start3A_43, %dma_start3A_44] : memref<5x256x64xf32, #tpu.memory_space<vmem>> -> memref<1x128x64xf32, #tpu.memory_space<vmem>>
    %dma_start3A_46 = tpu.memref_squeeze %dma_start3A_45 : memref<1x128x64xf32, #tpu.memory_space<vmem>> -> memref<128x64xf32, #tpu.memory_space<vmem>>
    %dma_start3A_47 = arith.constant 512 : i32
    %dma_start3A_48 = tpu.memref_slice %arg5[%dma_start3A_47] : memref<25600xi32, #tpu.memory_space<vmem>> -> memref<128xi32, #tpu.memory_space<vmem>>
    %dma_start3A_49 = arith.constant 0 : i32
    %dma_start3A_50 = arith.constant 0 : i32
    %dma_start3A_51 = tpu.memref_slice %arg3[%dma_start3A_49, %dma_start3A_50] : memref<1000000x64xf32, #tpu.memory_space<hbm>> -> memref<1000000x64xf32, #tpu.memory_space<hbm>>
    tpu.enqueue_indirect_dma source(%dma_start3A_51 : memref<1000000x64xf32, #tpu.memory_space<hbm>>) target(%dma_start3A_46 : memref<128x64xf32, #tpu.memory_space<vmem>>) offsets(%dma_start3A_48 : memref<128xi32, #tpu.memory_space<vmem>>) semaphore(%arg9 : memref<!tpu.dma_semaphore, #tpu.memory_space<semaphore_mem>>)
    %dma_start3A_52 = arith.constant 2 : i32
    %dma_start3A_53 = arith.constant 128 : i32
    %dma_start3A_54 = arith.constant 0 : i32
    %dma_start3A_55 = tpu.memref_slice %arg6[%dma_start3A_52, %dma_start3A_53, %dma_start3A_54] : memref<5x256x64xf32, #tpu.memory_space<vmem>> -> memref<1x128x64xf32, #tpu.memory_space<vmem>>
    %dma_start3A_56 = tpu.memref_squeeze %dma_start3A_55 : memref<1x128x64xf32, #tpu.memory_space<vmem>> -> memref<128x64xf32, #tpu.memory_space<vmem>>
    %dma_start3A_57 = arith.constant 640 : i32
    %dma_start3A_58 = tpu.memref_slice %arg5[%dma_start3A_57] : memref<25600xi32, #tpu.memory_space<vmem>> -> memref<128xi32, #tpu.memory_space<vmem>>
    %dma_start3A_59 = arith.constant 0 : i32
    %dma_start3A_60 = arith.constant 0 : i32
    %dma_start3A_61 = tpu.memref_slice %arg3[%dma_start3A_59, %dma_start3A_60] : memref<1000000x64xf32, #tpu.memory_space<hbm>> -> memref<1000000x64xf32, #tpu.memory_space<hbm>>
    tpu.enqueue_indirect_dma source(%dma_start3A_61 : memref<1000000x64xf32, #tpu.memory_space<hbm>>) target(%dma_start3A_56 : memref<128x64xf32, #tpu.memory_space<vmem>>) offsets(%dma_start3A_58 : memref<128xi32, #tpu.memory_space<vmem>>) semaphore(%arg9 : memref<!tpu.dma_semaphore, #tpu.memory_space<semaphore_mem>>)
    %dma_start3A_62 = arith.constant 3 : i32
    %dma_start3A_63 = arith.constant 0 : i32
    %dma_start3A_64 = arith.constant 0 : i32
    %dma_start3A_65 = tpu.memref_slice %arg6[%dma_start3A_62, %dma_start3A_63, %dma_start3A_64] : memref<5x256x64xf32, #tpu.memory_space<vmem>> -> memref<1x128x64xf32, #tpu.memory_space<vmem>>
    %dma_start3A_66 = tpu.memref_squeeze %dma_start3A_65 : memref<1x128x64xf32, #tpu.memory_space<vmem>> -> memref<128x64xf32, #tpu.memory_space<vmem>>
    %dma_start3A_67 = arith.constant 768 : i32
    %dma_start3A_68 = tpu.memref_slice %arg5[%dma_start3A_67] : memref<25600xi32, #tpu.memory_space<vmem>> -> memref<128xi32, #tpu.memory_space<vmem>>
    %dma_start3A_69 = arith.constant 0 : i32
    %dma_start3A_70 = arith.constant 0 : i32
    %dma_start3A_71 = tpu.memref_slice %arg3[%dma_start3A_69, %dma_start3A_70] : memref<1000000x64xf32, #tpu.memory_space<hbm>> -> memref<1000000x64xf32, #tpu.memory_space<hbm>>
    tpu.enqueue_indirect_dma source(%dma_start3A_71 : memref<1000000x64xf32, #tpu.memory_space<hbm>>) target(%dma_start3A_66 : memref<128x64xf32, #tpu.memory_space<vmem>>) offsets(%dma_start3A_68 : memref<128xi32, #tpu.memory_space<vmem>>) semaphore(%arg10 : memref<!tpu.dma_semaphore, #tpu.memory_space<semaphore_mem>>)
    %dma_start3A_72 = arith.constant 3 : i32
    %dma_start3A_73 = arith.constant 128 : i32
    %dma_start3A_74 = arith.constant 0 : i32
    %dma_start3A_75 = tpu.memref_slice %arg6[%dma_start3A_72, %dma_start3A_73, %dma_start3A_74] : memref<5x256x64xf32, #tpu.memory_space<vmem>> -> memref<1x128x64xf32, #tpu.memory_space<vmem>>
    %dma_start3A_76 = tpu.memref_squeeze %dma_start3A_75 : memref<1x128x64xf32, #tpu.memory_space<vmem>> -> memref<128x64xf32, #tpu.memory_space<vmem>>
    %dma_start3A_77 = arith.constant 896 : i32
    %dma_start3A_78 = tpu.memref_slice %arg5[%dma_start3A_77] : memref<25600xi32, #tpu.memory_space<vmem>> -> memref<128xi32, #tpu.memory_space<vmem>>
    %dma_start3A_79 = arith.constant 0 : i32
    %dma_start3A_80 = arith.constant 0 : i32
    %dma_start3A_81 = tpu.memref_slice %arg3[%dma_start3A_79, %dma_start3A_80] : memref<1000000x64xf32, #tpu.memory_space<hbm>> -> memref<1000000x64xf32, #tpu.memory_space<hbm>>
    tpu.enqueue_indirect_dma source(%dma_start3A_81 : memref<1000000x64xf32, #tpu.memory_space<hbm>>) target(%dma_start3A_76 : memref<128x64xf32, #tpu.memory_space<vmem>>) offsets(%dma_start3A_78 : memref<128xi32, #tpu.memory_space<vmem>>) semaphore(%arg10 : memref<!tpu.dma_semaphore, #tpu.memory_space<semaphore_mem>>)
    %dma_start3A_82 = arith.constant 4 : i32
    %dma_start3A_83 = arith.constant 0 : i32
    %dma_start3A_84 = arith.constant 0 : i32
    %dma_start3A_85 = tpu.memref_slice %arg6[%dma_start3A_82, %dma_start3A_83, %dma_start3A_84] : memref<5x256x64xf32, #tpu.memory_space<vmem>> -> memref<1x128x64xf32, #tpu.memory_space<vmem>>
    %dma_start3A_86 = tpu.memref_squeeze %dma_start3A_85 : memref<1x128x64xf32, #tpu.memory_space<vmem>> -> memref<128x64xf32, #tpu.memory_space<vmem>>
    %dma_start3A_87 = arith.constant 1024 : i32
    %dma_start3A_88 = tpu.memref_slice %arg5[%dma_start3A_87] : memref<25600xi32, #tpu.memory_space<vmem>> -> memref<128xi32, #tpu.memory_space<vmem>>
    %dma_start3A_89 = arith.constant 0 : i32
    %dma_start3A_90 = arith.constant 0 : i32
    %dma_start3A_91 = tpu.memref_slice %arg3[%dma_start3A_89, %dma_start3A_90] : memref<1000000x64xf32, #tpu.memory_space<hbm>> -> memref<1000000x64xf32, #tpu.memory_space<hbm>>
    tpu.enqueue_indirect_dma source(%dma_start3A_91 : memref<1000000x64xf32, #tpu.memory_space<hbm>>) target(%dma_start3A_86 : memref<128x64xf32, #tpu.memory_space<vmem>>) offsets(%dma_start3A_88 : memref<128xi32, #tpu.memory_space<vmem>>) semaphore(%arg11 : memref<!tpu.dma_semaphore, #tpu.memory_space<semaphore_mem>>)
    %dma_start3A_92 = arith.constant 4 : i32
    %dma_start3A_93 = arith.constant 128 : i32
    %dma_start3A_94 = arith.constant 0 : i32
    %dma_start3A_95 = tpu.memref_slice %arg6[%dma_start3A_92, %dma_start3A_93, %dma_start3A_94] : memref<5x256x64xf32, #tpu.memory_space<vmem>> -> memref<1x128x64xf32, #tpu.memory_space<vmem>>
    %dma_start3A_96 = tpu.memref_squeeze %dma_start3A_95 : memref<1x128x64xf32, #tpu.memory_space<vmem>> -> memref<128x64xf32, #tpu.memory_space<vmem>>
    %dma_start3A_97 = arith.constant 1152 : i32
    %dma_start3A_98 = tpu.memref_slice %arg5[%dma_start3A_97] : memref<25600xi32, #tpu.memory_space<vmem>> -> memref<128xi32, #tpu.memory_space<vmem>>
    %dma_start3A_99 = arith.constant 0 : i32
    %dma_start3A_100 = arith.constant 0 : i32
    %dma_start3A_101 = tpu.memref_slice %arg3[%dma_start3A_99, %dma_start3A_100] : memref<1000000x64xf32, #tpu.memory_space<hbm>> -> memref<1000000x64xf32, #tpu.memory_space<hbm>>
    tpu.enqueue_indirect_dma source(%dma_start3A_101 : memref<1000000x64xf32, #tpu.memory_space<hbm>>) target(%dma_start3A_96 : memref<128x64xf32, #tpu.memory_space<vmem>>) offsets(%dma_start3A_98 : memref<128xi32, #tpu.memory_space<vmem>>) semaphore(%arg11 : memref<!tpu.dma_semaphore, #tpu.memory_space<semaphore_mem>>)
    %dma_wait3A = arith.constant 0 : i32
    %dma_wait3A_102 = arith.constant 0 : i32
    %dma_wait3A_103 = arith.constant 0 : i32
    %dma_wait3A_104 = tpu.memref_slice %arg6[%dma_wait3A, %dma_wait3A_102, %dma_wait3A_103] : memref<5x256x64xf32, #tpu.memory_space<vmem>> -> memref<1x256x64xf32, #tpu.memory_space<vmem>>
    %dma_wait3A_105 = tpu.memref_squeeze %dma_wait3A_104 : memref<1x256x64xf32, #tpu.memory_space<vmem>> -> memref<256x64xf32, #tpu.memory_space<vmem>>
    %dma_wait3A_106 = arith.constant 0 : i32
    %dma_wait3A_107 = arith.constant 0 : i32
    %dma_wait3A_108 = tpu.memref_slice %arg4[%dma_wait3A_106, %dma_wait3A_107] : memref<819200x64xf32, #tpu.memory_space<hbm>> -> memref<256x64xf32, #tpu.memory_space<hbm>>
    %dma_wait3A_109 = arith.constant 0 : i32
    %dma_wait3A_110 = arith.constant 0 : i32
    %dma_wait3A_111 = tpu.memref_slice %arg6[%dma_wait3A, %dma_wait3A_109, %dma_wait3A_110] : memref<5x256x64xf32, #tpu.memory_space<vmem>> -> memref<1x256x64xf32, #tpu.memory_space<vmem>>
    %dma_wait3A_112 = tpu.memref_squeeze %dma_wait3A_111 : memref<1x256x64xf32, #tpu.memory_space<vmem>> -> memref<256x64xf32, #tpu.memory_space<vmem>>
    %dma_wait3A_113 = arith.constant 0 : i32
    %dma_wait3A_114 = arith.constant 0 : i32
    %dma_wait3A_115 = tpu.memref_slice %arg4[%dma_wait3A_113, %dma_wait3A_114] : memref<819200x64xf32, #tpu.memory_space<hbm>> -> memref<256x64xf32, #tpu.memory_space<hbm>>
    tpu.wait_dma2 semaphore(%arg7 : memref<!tpu.dma_semaphore, #tpu.memory_space<semaphore_mem>>) src(%dma_wait3A_115 : memref<256x64xf32, #tpu.memory_space<hbm>>) dst(%dma_wait3A_112 : memref<256x64xf32, #tpu.memory_space<vmem>>)
    %add3A_116 = arith.constant 0 : i32
    %add3A_117 = arith.addi %mul3A_2, %add3A_116 : i32
    %dma_start3A_118 = arith.constant 0 : i32
    %dma_start3A_119 = arith.constant 0 : i32
    %dma_start3A_120 = arith.constant 0 : i32
    %dma_start3A_121 = tpu.memref_slice %arg6[%dma_start3A_118, %dma_start3A_119, %dma_start3A_120] : memref<5x256x64xf32, #tpu.memory_space<vmem>> -> memref<1x256x64xf32, #tpu.memory_space<vmem>>
    %dma_start3A_122 = tpu.memref_squeeze %dma_start3A_121 : memref<1x256x64xf32, #tpu.memory_space<vmem>> -> memref<256x64xf32, #tpu.memory_space<vmem>>
    %dma_start3A_123 = arith.constant 0 : i32
    %dma_start3A_124 = tpu.memref_slice %arg4[%add3A_117, %dma_start3A_123] : memref<819200x64xf32, #tpu.memory_space<hbm>> -> memref<256x64xf32, #tpu.memory_space<hbm>>
    %dma_start3A_125 = arith.constant 0 : i32
    %dma_start3A_126 = tpu.memref_slice %arg4[%add3A_117, %dma_start3A_125] : memref<819200x64xf32, #tpu.memory_space<hbm>> -> memref<256x64xf32, #tpu.memory_space<hbm>>
    %dma_start3A_127 = arith.constant 0 : i32
    %dma_start3A_128 = arith.constant 0 : i32
    %dma_start3A_129 = tpu.memref_slice %arg6[%dma_start3A_118, %dma_start3A_127, %dma_start3A_128] : memref<5x256x64xf32, #tpu.memory_space<vmem>> -> memref<1x256x64xf32, #tpu.memory_space<vmem>>
    %dma_start3A_130 = tpu.memref_squeeze %dma_start3A_129 : memref<1x256x64xf32, #tpu.memory_space<vmem>> -> memref<256x64xf32, #tpu.memory_space<vmem>>
    tpu.enqueue_dma source(%dma_start3A_130 : memref<256x64xf32, #tpu.memory_space<vmem>>) target(%dma_start3A_126 : memref<256x64xf32, #tpu.memory_space<hbm>>) target_semaphore(%arg12 : memref<!tpu.dma_semaphore, #tpu.memory_space<semaphore_mem>>)
    %scan3A = arith.constant 0 : i32
    %scan3A_131 = arith.constant 1 : i32
    %scan3A_132 = arith.constant 19 : i32
    %scan3A_133 = arith.addi %scan3A_131, %scan3A_132 : i32
    %scan3A_134 = arith.constant 1 : i32
    scf.for %scan3A_331 = %scan3A_131 to %scan3A_133 step %scan3A_134  : i32 {
      %mul3A_332 = arith.constant 5 : i32
      %mul3A_333 = arith.muli %scan3A_331, %mul3A_332 : i32
      %add3A_334 = arith.constant 0 : i32
      %add3A_335 = arith.addi %mul3A_333, %add3A_334 : i32
      %dma_wait3A_336 = arith.constant 0 : i32
      %dma_wait3A_337 = arith.constant 0 : i32
      %dma_wait3A_338 = arith.constant 0 : i32
      %dma_wait3A_339 = tpu.memref_slice %arg6[%dma_wait3A_336, %dma_wait3A_337, %dma_wait3A_338] : memref<5x256x64xf32, #tpu.memory_space<vmem>> -> memref<1x256x64xf32, #tpu.memory_space<vmem>>
      %dma_wait3A_340 = tpu.memref_squeeze %dma_wait3A_339 : memref<1x256x64xf32, #tpu.memory_space<vmem>> -> memref<256x64xf32, #tpu.memory_space<vmem>>
      %dma_wait3A_341 = arith.constant 0 : i32
      %dma_wait3A_342 = arith.constant 0 : i32
      %dma_wait3A_343 = tpu.memref_slice %arg4[%dma_wait3A_341, %dma_wait3A_342] : memref<819200x64xf32, #tpu.memory_space<hbm>> -> memref<256x64xf32, #tpu.memory_space<hbm>>
      %dma_wait3A_344 = arith.constant 0 : i32
      %dma_wait3A_345 = arith.constant 0 : i32
      %dma_wait3A_346 = tpu.memref_slice %arg4[%dma_wait3A_344, %dma_wait3A_345] : memref<819200x64xf32, #tpu.memory_space<hbm>> -> memref<256x64xf32, #tpu.memory_space<hbm>>
      %dma_wait3A_347 = arith.constant 0 : i32
      %dma_wait3A_348 = arith.constant 0 : i32
      %dma_wait3A_349 = tpu.memref_slice %arg6[%dma_wait3A_336, %dma_wait3A_347, %dma_wait3A_348] : memref<5x256x64xf32, #tpu.memory_space<vmem>> -> memref<1x256x64xf32, #tpu.memory_space<vmem>>
      %dma_wait3A_350 = tpu.memref_squeeze %dma_wait3A_349 : memref<1x256x64xf32, #tpu.memory_space<vmem>> -> memref<256x64xf32, #tpu.memory_space<vmem>>
      tpu.wait_dma2 semaphore(%arg12 : memref<!tpu.dma_semaphore, #tpu.memory_space<semaphore_mem>>) src(%dma_wait3A_350 : memref<256x64xf32, #tpu.memory_space<vmem>>) dst(%dma_wait3A_346 : memref<256x64xf32, #tpu.memory_space<hbm>>)
      %mul3A_351 = arith.constant 256 : i32
      %mul3A_352 = arith.muli %add3A_335, %mul3A_351 : i32
      %add3A_353 = arith.constant 0 : i32
      %add3A_354 = arith.addi %mul3A_352, %add3A_353 : i32
      %dma_start3A_355 = arith.constant 0 : i32
      %dma_start3A_356 = arith.constant 0 : i32
      %dma_start3A_357 = arith.constant 0 : i32
      %dma_start3A_358 = tpu.memref_slice %arg6[%dma_start3A_355, %dma_start3A_356, %dma_start3A_357] : memref<5x256x64xf32, #tpu.memory_space<vmem>> -> memref<1x128x64xf32, #tpu.memory_space<vmem>>
      %dma_start3A_359 = tpu.memref_squeeze %dma_start3A_358 : memref<1x128x64xf32, #tpu.memory_space<vmem>> -> memref<128x64xf32, #tpu.memory_space<vmem>>
      %dma_start3A_360 = tpu.memref_slice %arg5[%add3A_354] : memref<25600xi32, #tpu.memory_space<vmem>> -> memref<128xi32, #tpu.memory_space<vmem>>
      %dma_start3A_361 = arith.constant 0 : i32
      %dma_start3A_362 = arith.constant 0 : i32
      %dma_start3A_363 = tpu.memref_slice %arg3[%dma_start3A_361, %dma_start3A_362] : memref<1000000x64xf32, #tpu.memory_space<hbm>> -> memref<1000000x64xf32, #tpu.memory_space<hbm>>
      tpu.enqueue_indirect_dma source(%dma_start3A_363 : memref<1000000x64xf32, #tpu.memory_space<hbm>>) target(%dma_start3A_359 : memref<128x64xf32, #tpu.memory_space<vmem>>) offsets(%dma_start3A_360 : memref<128xi32, #tpu.memory_space<vmem>>) semaphore(%arg7 : memref<!tpu.dma_semaphore, #tpu.memory_space<semaphore_mem>>)
      %mul3A_364 = arith.constant 256 : i32
      %mul3A_365 = arith.muli %add3A_335, %mul3A_364 : i32
      %add3A_366 = arith.constant 128 : i32
      %add3A_367 = arith.addi %mul3A_365, %add3A_366 : i32
      %dma_start3A_368 = arith.constant 0 : i32
      %dma_start3A_369 = arith.constant 128 : i32
      %dma_start3A_370 = arith.constant 0 : i32
      %dma_start3A_371 = tpu.memref_slice %arg6[%dma_start3A_368, %dma_start3A_369, %dma_start3A_370] : memref<5x256x64xf32, #tpu.memory_space<vmem>> -> memref<1x128x64xf32, #tpu.memory_space<vmem>>
      %dma_start3A_372 = tpu.memref_squeeze %dma_start3A_371 : memref<1x128x64xf32, #tpu.memory_space<vmem>> -> memref<128x64xf32, #tpu.memory_space<vmem>>
      %dma_start3A_373 = tpu.memref_slice %arg5[%add3A_367] : memref<25600xi32, #tpu.memory_space<vmem>> -> memref<128xi32, #tpu.memory_space<vmem>>
      %dma_start3A_374 = arith.constant 0 : i32
      %dma_start3A_375 = arith.constant 0 : i32
      %dma_start3A_376 = tpu.memref_slice %arg3[%dma_start3A_374, %dma_start3A_375] : memref<1000000x64xf32, #tpu.memory_space<hbm>> -> memref<1000000x64xf32, #tpu.memory_space<hbm>>
      tpu.enqueue_indirect_dma source(%dma_start3A_376 : memref<1000000x64xf32, #tpu.memory_space<hbm>>) target(%dma_start3A_372 : memref<128x64xf32, #tpu.memory_space<vmem>>) offsets(%dma_start3A_373 : memref<128xi32, #tpu.memory_space<vmem>>) semaphore(%arg7 : memref<!tpu.dma_semaphore, #tpu.memory_space<semaphore_mem>>)
      %sub3A = arith.constant 4 : i32
      %sub3A_377 = arith.subi %add3A_335, %sub3A : i32
      %dma_wait3A_378 = arith.constant 1 : i32
      %dma_wait3A_379 = arith.constant 0 : i32
      %dma_wait3A_380 = arith.constant 0 : i32
      %dma_wait3A_381 = tpu.memref_slice %arg6[%dma_wait3A_378, %dma_wait3A_379, %dma_wait3A_380] : memref<5x256x64xf32, #tpu.memory_space<vmem>> -> memref<1x256x64xf32, #tpu.memory_space<vmem>>
      %dma_wait3A_382 = tpu.memref_squeeze %dma_wait3A_381 : memref<1x256x64xf32, #tpu.memory_space<vmem>> -> memref<256x64xf32, #tpu.memory_space<vmem>>
      %dma_wait3A_383 = arith.constant 0 : i32
      %dma_wait3A_384 = arith.constant 0 : i32
      %dma_wait3A_385 = tpu.memref_slice %arg4[%dma_wait3A_383, %dma_wait3A_384] : memref<819200x64xf32, #tpu.memory_space<hbm>> -> memref<256x64xf32, #tpu.memory_space<hbm>>
      %dma_wait3A_386 = arith.constant 0 : i32
      %dma_wait3A_387 = arith.constant 0 : i32
      %dma_wait3A_388 = tpu.memref_slice %arg6[%dma_wait3A_378, %dma_wait3A_386, %dma_wait3A_387] : memref<5x256x64xf32, #tpu.memory_space<vmem>> -> memref<1x256x64xf32, #tpu.memory_space<vmem>>
      %dma_wait3A_389 = tpu.memref_squeeze %dma_wait3A_388 : memref<1x256x64xf32, #tpu.memory_space<vmem>> -> memref<256x64xf32, #tpu.memory_space<vmem>>
      %dma_wait3A_390 = arith.constant 0 : i32
      %dma_wait3A_391 = arith.constant 0 : i32
      %dma_wait3A_392 = tpu.memref_slice %arg4[%dma_wait3A_390, %dma_wait3A_391] : memref<819200x64xf32, #tpu.memory_space<hbm>> -> memref<256x64xf32, #tpu.memory_space<hbm>>
      tpu.wait_dma2 semaphore(%arg8 : memref<!tpu.dma_semaphore, #tpu.memory_space<semaphore_mem>>) src(%dma_wait3A_392 : memref<256x64xf32, #tpu.memory_space<hbm>>) dst(%dma_wait3A_389 : memref<256x64xf32, #tpu.memory_space<vmem>>)
      %mul3A_393 = arith.constant 256 : i32
      %mul3A_394 = arith.muli %sub3A_377, %mul3A_393 : i32
      %add3A_395 = arith.addi %mul3A_2, %mul3A_394 : i32
      %dma_start3A_396 = arith.constant 1 : i32
      %dma_start3A_397 = arith.constant 0 : i32
      %dma_start3A_398 = arith.constant 0 : i32
      %dma_start3A_399 = tpu.memref_slice %arg6[%dma_start3A_396, %dma_start3A_397, %dma_start3A_398] : memref<5x256x64xf32, #tpu.memory_space<vmem>> -> memref<1x256x64xf32, #tpu.memory_space<vmem>>
      %dma_start3A_400 = tpu.memref_squeeze %dma_start3A_399 : memref<1x256x64xf32, #tpu.memory_space<vmem>> -> memref<256x64xf32, #tpu.memory_space<vmem>>
      %dma_start3A_401 = arith.constant 0 : i32
      %dma_start3A_402 = tpu.memref_slice %arg4[%add3A_395, %dma_start3A_401] : memref<819200x64xf32, #tpu.memory_space<hbm>> -> memref<256x64xf32, #tpu.memory_space<hbm>>
      %dma_start3A_403 = arith.constant 0 : i32
      %dma_start3A_404 = tpu.memref_slice %arg4[%add3A_395, %dma_start3A_403] : memref<819200x64xf32, #tpu.memory_space<hbm>> -> memref<256x64xf32, #tpu.memory_space<hbm>>
      %dma_start3A_405 = arith.constant 0 : i32
      %dma_start3A_406 = arith.constant 0 : i32
      %dma_start3A_407 = tpu.memref_slice %arg6[%dma_start3A_396, %dma_start3A_405, %dma_start3A_406] : memref<5x256x64xf32, #tpu.memory_space<vmem>> -> memref<1x256x64xf32, #tpu.memory_space<vmem>>
      %dma_start3A_408 = tpu.memref_squeeze %dma_start3A_407 : memref<1x256x64xf32, #tpu.memory_space<vmem>> -> memref<256x64xf32, #tpu.memory_space<vmem>>
      tpu.enqueue_dma source(%dma_start3A_408 : memref<256x64xf32, #tpu.memory_space<vmem>>) target(%dma_start3A_404 : memref<256x64xf32, #tpu.memory_space<hbm>>) target_semaphore(%arg13 : memref<!tpu.dma_semaphore, #tpu.memory_space<semaphore_mem>>)
      %mul3A_409 = arith.constant 5 : i32
      %mul3A_410 = arith.muli %scan3A_331, %mul3A_409 : i32
      %add3A_411 = arith.constant 1 : i32
      %add3A_412 = arith.addi %mul3A_410, %add3A_411 : i32
      %dma_wait3A_413 = arith.constant 1 : i32
      %dma_wait3A_414 = arith.constant 0 : i32
      %dma_wait3A_415 = arith.constant 0 : i32
      %dma_wait3A_416 = tpu.memref_slice %arg6[%dma_wait3A_413, %dma_wait3A_414, %dma_wait3A_415] : memref<5x256x64xf32, #tpu.memory_space<vmem>> -> memref<1x256x64xf32, #tpu.memory_space<vmem>>
      %dma_wait3A_417 = tpu.memref_squeeze %dma_wait3A_416 : memref<1x256x64xf32, #tpu.memory_space<vmem>> -> memref<256x64xf32, #tpu.memory_space<vmem>>
      %dma_wait3A_418 = arith.constant 0 : i32
      %dma_wait3A_419 = arith.constant 0 : i32
      %dma_wait3A_420 = tpu.memref_slice %arg4[%dma_wait3A_418, %dma_wait3A_419] : memref<819200x64xf32, #tpu.memory_space<hbm>> -> memref<256x64xf32, #tpu.memory_space<hbm>>
      %dma_wait3A_421 = arith.constant 0 : i32
      %dma_wait3A_422 = arith.constant 0 : i32
      %dma_wait3A_423 = tpu.memref_slice %arg4[%dma_wait3A_421, %dma_wait3A_422] : memref<819200x64xf32, #tpu.memory_space<hbm>> -> memref<256x64xf32, #tpu.memory_space<hbm>>
      %dma_wait3A_424 = arith.constant 0 : i32
      %dma_wait3A_425 = arith.constant 0 : i32
      %dma_wait3A_426 = tpu.memref_slice %arg6[%dma_wait3A_413, %dma_wait3A_424, %dma_wait3A_425] : memref<5x256x64xf32, #tpu.memory_space<vmem>> -> memref<1x256x64xf32, #tpu.memory_space<vmem>>
      %dma_wait3A_427 = tpu.memref_squeeze %dma_wait3A_426 : memref<1x256x64xf32, #tpu.memory_space<vmem>> -> memref<256x64xf32, #tpu.memory_space<vmem>>
      tpu.wait_dma2 semaphore(%arg13 : memref<!tpu.dma_semaphore, #tpu.memory_space<semaphore_mem>>) src(%dma_wait3A_427 : memref<256x64xf32, #tpu.memory_space<vmem>>) dst(%dma_wait3A_423 : memref<256x64xf32, #tpu.memory_space<hbm>>)
      %mul3A_428 = arith.constant 256 : i32
      %mul3A_429 = arith.muli %add3A_412, %mul3A_428 : i32
      %add3A_430 = arith.constant 0 : i32
      %add3A_431 = arith.addi %mul3A_429, %add3A_430 : i32
      %dma_start3A_432 = arith.constant 1 : i32
      %dma_start3A_433 = arith.constant 0 : i32
      %dma_start3A_434 = arith.constant 0 : i32
      %dma_start3A_435 = tpu.memref_slice %arg6[%dma_start3A_432, %dma_start3A_433, %dma_start3A_434] : memref<5x256x64xf32, #tpu.memory_space<vmem>> -> memref<1x128x64xf32, #tpu.memory_space<vmem>>
      %dma_start3A_436 = tpu.memref_squeeze %dma_start3A_435 : memref<1x128x64xf32, #tpu.memory_space<vmem>> -> memref<128x64xf32, #tpu.memory_space<vmem>>
      %dma_start3A_437 = tpu.memref_slice %arg5[%add3A_431] : memref<25600xi32, #tpu.memory_space<vmem>> -> memref<128xi32, #tpu.memory_space<vmem>>
      %dma_start3A_438 = arith.constant 0 : i32
      %dma_start3A_439 = arith.constant 0 : i32
      %dma_start3A_440 = tpu.memref_slice %arg3[%dma_start3A_438, %dma_start3A_439] : memref<1000000x64xf32, #tpu.memory_space<hbm>> -> memref<1000000x64xf32, #tpu.memory_space<hbm>>
      tpu.enqueue_indirect_dma source(%dma_start3A_440 : memref<1000000x64xf32, #tpu.memory_space<hbm>>) target(%dma_start3A_436 : memref<128x64xf32, #tpu.memory_space<vmem>>) offsets(%dma_start3A_437 : memref<128xi32, #tpu.memory_space<vmem>>) semaphore(%arg8 : memref<!tpu.dma_semaphore, #tpu.memory_space<semaphore_mem>>)
      %mul3A_441 = arith.constant 256 : i32
      %mul3A_442 = arith.muli %add3A_412, %mul3A_441 : i32
      %add3A_443 = arith.constant 128 : i32
      %add3A_444 = arith.addi %mul3A_442, %add3A_443 : i32
      %dma_start3A_445 = arith.constant 1 : i32
      %dma_start3A_446 = arith.constant 128 : i32
      %dma_start3A_447 = arith.constant 0 : i32
      %dma_start3A_448 = tpu.memref_slice %arg6[%dma_start3A_445, %dma_start3A_446, %dma_start3A_447] : memref<5x256x64xf32, #tpu.memory_space<vmem>> -> memref<1x128x64xf32, #tpu.memory_space<vmem>>
      %dma_start3A_449 = tpu.memref_squeeze %dma_start3A_448 : memref<1x128x64xf32, #tpu.memory_space<vmem>> -> memref<128x64xf32, #tpu.memory_space<vmem>>
      %dma_start3A_450 = tpu.memref_slice %arg5[%add3A_444] : memref<25600xi32, #tpu.memory_space<vmem>> -> memref<128xi32, #tpu.memory_space<vmem>>
      %dma_start3A_451 = arith.constant 0 : i32
      %dma_start3A_452 = arith.constant 0 : i32
      %dma_start3A_453 = tpu.memref_slice %arg3[%dma_start3A_451, %dma_start3A_452] : memref<1000000x64xf32, #tpu.memory_space<hbm>> -> memref<1000000x64xf32, #tpu.memory_space<hbm>>
      tpu.enqueue_indirect_dma source(%dma_start3A_453 : memref<1000000x64xf32, #tpu.memory_space<hbm>>) target(%dma_start3A_449 : memref<128x64xf32, #tpu.memory_space<vmem>>) offsets(%dma_start3A_450 : memref<128xi32, #tpu.memory_space<vmem>>) semaphore(%arg8 : memref<!tpu.dma_semaphore, #tpu.memory_space<semaphore_mem>>)
      %sub3A_454 = arith.constant 4 : i32
      %sub3A_455 = arith.subi %add3A_412, %sub3A_454 : i32
      %dma_wait3A_456 = arith.constant 2 : i32
      %dma_wait3A_457 = arith.constant 0 : i32
      %dma_wait3A_458 = arith.constant 0 : i32
      %dma_wait3A_459 = tpu.memref_slice %arg6[%dma_wait3A_456, %dma_wait3A_457, %dma_wait3A_458] : memref<5x256x64xf32, #tpu.memory_space<vmem>> -> memref<1x256x64xf32, #tpu.memory_space<vmem>>
      %dma_wait3A_460 = tpu.memref_squeeze %dma_wait3A_459 : memref<1x256x64xf32, #tpu.memory_space<vmem>> -> memref<256x64xf32, #tpu.memory_space<vmem>>
      %dma_wait3A_461 = arith.constant 0 : i32
      %dma_wait3A_462 = arith.constant 0 : i32
      %dma_wait3A_463 = tpu.memref_slice %arg4[%dma_wait3A_461, %dma_wait3A_462] : memref<819200x64xf32, #tpu.memory_space<hbm>> -> memref<256x64xf32, #tpu.memory_space<hbm>>
      %dma_wait3A_464 = arith.constant 0 : i32
      %dma_wait3A_465 = arith.constant 0 : i32
      %dma_wait3A_466 = tpu.memref_slice %arg6[%dma_wait3A_456, %dma_wait3A_464, %dma_wait3A_465] : memref<5x256x64xf32, #tpu.memory_space<vmem>> -> memref<1x256x64xf32, #tpu.memory_space<vmem>>
      %dma_wait3A_467 = tpu.memref_squeeze %dma_wait3A_466 : memref<1x256x64xf32, #tpu.memory_space<vmem>> -> memref<256x64xf32, #tpu.memory_space<vmem>>
      %dma_wait3A_468 = arith.constant 0 : i32
      %dma_wait3A_469 = arith.constant 0 : i32
      %dma_wait3A_470 = tpu.memref_slice %arg4[%dma_wait3A_468, %dma_wait3A_469] : memref<819200x64xf32, #tpu.memory_space<hbm>> -> memref<256x64xf32, #tpu.memory_space<hbm>>
      tpu.wait_dma2 semaphore(%arg9 : memref<!tpu.dma_semaphore, #tpu.memory_space<semaphore_mem>>) src(%dma_wait3A_470 : memref<256x64xf32, #tpu.memory_space<hbm>>) dst(%dma_wait3A_467 : memref<256x64xf32, #tpu.memory_space<vmem>>)
      %mul3A_471 = arith.constant 256 : i32
      %mul3A_472 = arith.muli %sub3A_455, %mul3A_471 : i32
      %add3A_473 = arith.addi %mul3A_2, %mul3A_472 : i32
      %dma_start3A_474 = arith.constant 2 : i32
      %dma_start3A_475 = arith.constant 0 : i32
      %dma_start3A_476 = arith.constant 0 : i32
      %dma_start3A_477 = tpu.memref_slice %arg6[%dma_start3A_474, %dma_start3A_475, %dma_start3A_476] : memref<5x256x64xf32, #tpu.memory_space<vmem>> -> memref<1x256x64xf32, #tpu.memory_space<vmem>>
      %dma_start3A_478 = tpu.memref_squeeze %dma_start3A_477 : memref<1x256x64xf32, #tpu.memory_space<vmem>> -> memref<256x64xf32, #tpu.memory_space<vmem>>
      %dma_start3A_479 = arith.constant 0 : i32
      %dma_start3A_480 = tpu.memref_slice %arg4[%add3A_473, %dma_start3A_479] : memref<819200x64xf32, #tpu.memory_space<hbm>> -> memref<256x64xf32, #tpu.memory_space<hbm>>
      %dma_start3A_481 = arith.constant 0 : i32
      %dma_start3A_482 = tpu.memref_slice %arg4[%add3A_473, %dma_start3A_481] : memref<819200x64xf32, #tpu.memory_space<hbm>> -> memref<256x64xf32, #tpu.memory_space<hbm>>
      %dma_start3A_483 = arith.constant 0 : i32
      %dma_start3A_484 = arith.constant 0 : i32
      %dma_start3A_485 = tpu.memref_slice %arg6[%dma_start3A_474, %dma_start3A_483, %dma_start3A_484] : memref<5x256x64xf32, #tpu.memory_space<vmem>> -> memref<1x256x64xf32, #tpu.memory_space<vmem>>
      %dma_start3A_486 = tpu.memref_squeeze %dma_start3A_485 : memref<1x256x64xf32, #tpu.memory_space<vmem>> -> memref<256x64xf32, #tpu.memory_space<vmem>>
      tpu.enqueue_dma source(%dma_start3A_486 : memref<256x64xf32, #tpu.memory_space<vmem>>) target(%dma_start3A_482 : memref<256x64xf32, #tpu.memory_space<hbm>>) target_semaphore(%arg14 : memref<!tpu.dma_semaphore, #tpu.memory_space<semaphore_mem>>)
      %mul3A_487 = arith.constant 5 : i32
      %mul3A_488 = arith.muli %scan3A_331, %mul3A_487 : i32
      %add3A_489 = arith.constant 2 : i32
      %add3A_490 = arith.addi %mul3A_488, %add3A_489 : i32
      %dma_wait3A_491 = arith.constant 2 : i32
      %dma_wait3A_492 = arith.constant 0 : i32
      %dma_wait3A_493 = arith.constant 0 : i32
      %dma_wait3A_494 = tpu.memref_slice %arg6[%dma_wait3A_491, %dma_wait3A_492, %dma_wait3A_493] : memref<5x256x64xf32, #tpu.memory_space<vmem>> -> memref<1x256x64xf32, #tpu.memory_space<vmem>>
      %dma_wait3A_495 = tpu.memref_squeeze %dma_wait3A_494 : memref<1x256x64xf32, #tpu.memory_space<vmem>> -> memref<256x64xf32, #tpu.memory_space<vmem>>
      %dma_wait3A_496 = arith.constant 0 : i32
      %dma_wait3A_497 = arith.constant 0 : i32
      %dma_wait3A_498 = tpu.memref_slice %arg4[%dma_wait3A_496, %dma_wait3A_497] : memref<819200x64xf32, #tpu.memory_space<hbm>> -> memref<256x64xf32, #tpu.memory_space<hbm>>
      %dma_wait3A_499 = arith.constant 0 : i32
      %dma_wait3A_500 = arith.constant 0 : i32
      %dma_wait3A_501 = tpu.memref_slice %arg4[%dma_wait3A_499, %dma_wait3A_500] : memref<819200x64xf32, #tpu.memory_space<hbm>> -> memref<256x64xf32, #tpu.memory_space<hbm>>
      %dma_wait3A_502 = arith.constant 0 : i32
      %dma_wait3A_503 = arith.constant 0 : i32
      %dma_wait3A_504 = tpu.memref_slice %arg6[%dma_wait3A_491, %dma_wait3A_502, %dma_wait3A_503] : memref<5x256x64xf32, #tpu.memory_space<vmem>> -> memref<1x256x64xf32, #tpu.memory_space<vmem>>
      %dma_wait3A_505 = tpu.memref_squeeze %dma_wait3A_504 : memref<1x256x64xf32, #tpu.memory_space<vmem>> -> memref<256x64xf32, #tpu.memory_space<vmem>>
      tpu.wait_dma2 semaphore(%arg14 : memref<!tpu.dma_semaphore, #tpu.memory_space<semaphore_mem>>) src(%dma_wait3A_505 : memref<256x64xf32, #tpu.memory_space<vmem>>) dst(%dma_wait3A_501 : memref<256x64xf32, #tpu.memory_space<hbm>>)
      %mul3A_506 = arith.constant 256 : i32
      %mul3A_507 = arith.muli %add3A_490, %mul3A_506 : i32
      %add3A_508 = arith.constant 0 : i32
      %add3A_509 = arith.addi %mul3A_507, %add3A_508 : i32
      %dma_start3A_510 = arith.constant 2 : i32
      %dma_start3A_511 = arith.constant 0 : i32
      %dma_start3A_512 = arith.constant 0 : i32
      %dma_start3A_513 = tpu.memref_slice %arg6[%dma_start3A_510, %dma_start3A_511, %dma_start3A_512] : memref<5x256x64xf32, #tpu.memory_space<vmem>> -> memref<1x128x64xf32, #tpu.memory_space<vmem>>
      %dma_start3A_514 = tpu.memref_squeeze %dma_start3A_513 : memref<1x128x64xf32, #tpu.memory_space<vmem>> -> memref<128x64xf32, #tpu.memory_space<vmem>>
      %dma_start3A_515 = tpu.memref_slice %arg5[%add3A_509] : memref<25600xi32, #tpu.memory_space<vmem>> -> memref<128xi32, #tpu.memory_space<vmem>>
      %dma_start3A_516 = arith.constant 0 : i32
      %dma_start3A_517 = arith.constant 0 : i32
      %dma_start3A_518 = tpu.memref_slice %arg3[%dma_start3A_516, %dma_start3A_517] : memref<1000000x64xf32, #tpu.memory_space<hbm>> -> memref<1000000x64xf32, #tpu.memory_space<hbm>>
      tpu.enqueue_indirect_dma source(%dma_start3A_518 : memref<1000000x64xf32, #tpu.memory_space<hbm>>) target(%dma_start3A_514 : memref<128x64xf32, #tpu.memory_space<vmem>>) offsets(%dma_start3A_515 : memref<128xi32, #tpu.memory_space<vmem>>) semaphore(%arg9 : memref<!tpu.dma_semaphore, #tpu.memory_space<semaphore_mem>>)
      %mul3A_519 = arith.constant 256 : i32
      %mul3A_520 = arith.muli %add3A_490, %mul3A_519 : i32
      %add3A_521 = arith.constant 128 : i32
      %add3A_522 = arith.addi %mul3A_520, %add3A_521 : i32
      %dma_start3A_523 = arith.constant 2 : i32
      %dma_start3A_524 = arith.constant 128 : i32
      %dma_start3A_525 = arith.constant 0 : i32
      %dma_start3A_526 = tpu.memref_slice %arg6[%dma_start3A_523, %dma_start3A_524, %dma_start3A_525] : memref<5x256x64xf32, #tpu.memory_space<vmem>> -> memref<1x128x64xf32, #tpu.memory_space<vmem>>
      %dma_start3A_527 = tpu.memref_squeeze %dma_start3A_526 : memref<1x128x64xf32, #tpu.memory_space<vmem>> -> memref<128x64xf32, #tpu.memory_space<vmem>>
      %dma_start3A_528 = tpu.memref_slice %arg5[%add3A_522] : memref<25600xi32, #tpu.memory_space<vmem>> -> memref<128xi32, #tpu.memory_space<vmem>>
      %dma_start3A_529 = arith.constant 0 : i32
      %dma_start3A_530 = arith.constant 0 : i32
      %dma_start3A_531 = tpu.memref_slice %arg3[%dma_start3A_529, %dma_start3A_530] : memref<1000000x64xf32, #tpu.memory_space<hbm>> -> memref<1000000x64xf32, #tpu.memory_space<hbm>>
      tpu.enqueue_indirect_dma source(%dma_start3A_531 : memref<1000000x64xf32, #tpu.memory_space<hbm>>) target(%dma_start3A_527 : memref<128x64xf32, #tpu.memory_space<vmem>>) offsets(%dma_start3A_528 : memref<128xi32, #tpu.memory_space<vmem>>) semaphore(%arg9 : memref<!tpu.dma_semaphore, #tpu.memory_space<semaphore_mem>>)
      %sub3A_532 = arith.constant 4 : i32
      %sub3A_533 = arith.subi %add3A_490, %sub3A_532 : i32
      %dma_wait3A_534 = arith.constant 3 : i32
      %dma_wait3A_535 = arith.constant 0 : i32
      %dma_wait3A_536 = arith.constant 0 : i32
      %dma_wait3A_537 = tpu.memref_slice %arg6[%dma_wait3A_534, %dma_wait3A_535, %dma_wait3A_536] : memref<5x256x64xf32, #tpu.memory_space<vmem>> -> memref<1x256x64xf32, #tpu.memory_space<vmem>>
      %dma_wait3A_538 = tpu.memref_squeeze %dma_wait3A_537 : memref<1x256x64xf32, #tpu.memory_space<vmem>> -> memref<256x64xf32, #tpu.memory_space<vmem>>
      %dma_wait3A_539 = arith.constant 0 : i32
      %dma_wait3A_540 = arith.constant 0 : i32
      %dma_wait3A_541 = tpu.memref_slice %arg4[%dma_wait3A_539, %dma_wait3A_540] : memref<819200x64xf32, #tpu.memory_space<hbm>> -> memref<256x64xf32, #tpu.memory_space<hbm>>
      %dma_wait3A_542 = arith.constant 0 : i32
      %dma_wait3A_543 = arith.constant 0 : i32
      %dma_wait3A_544 = tpu.memref_slice %arg6[%dma_wait3A_534, %dma_wait3A_542, %dma_wait3A_543] : memref<5x256x64xf32, #tpu.memory_space<vmem>> -> memref<1x256x64xf32, #tpu.memory_space<vmem>>
      %dma_wait3A_545 = tpu.memref_squeeze %dma_wait3A_544 : memref<1x256x64xf32, #tpu.memory_space<vmem>> -> memref<256x64xf32, #tpu.memory_space<vmem>>
      %dma_wait3A_546 = arith.constant 0 : i32
      %dma_wait3A_547 = arith.constant 0 : i32
      %dma_wait3A_548 = tpu.memref_slice %arg4[%dma_wait3A_546, %dma_wait3A_547] : memref<819200x64xf32, #tpu.memory_space<hbm>> -> memref<256x64xf32, #tpu.memory_space<hbm>>
      tpu.wait_dma2 semaphore(%arg10 : memref<!tpu.dma_semaphore, #tpu.memory_space<semaphore_mem>>) src(%dma_wait3A_548 : memref<256x64xf32, #tpu.memory_space<hbm>>) dst(%dma_wait3A_545 : memref<256x64xf32, #tpu.memory_space<vmem>>)
      %mul3A_549 = arith.constant 256 : i32
      %mul3A_550 = arith.muli %sub3A_533, %mul3A_549 : i32
      %add3A_551 = arith.addi %mul3A_2, %mul3A_550 : i32
      %dma_start3A_552 = arith.constant 3 : i32
      %dma_start3A_553 = arith.constant 0 : i32
      %dma_start3A_554 = arith.constant 0 : i32
      %dma_start3A_555 = tpu.memref_slice %arg6[%dma_start3A_552, %dma_start3A_553, %dma_start3A_554] : memref<5x256x64xf32, #tpu.memory_space<vmem>> -> memref<1x256x64xf32, #tpu.memory_space<vmem>>
      %dma_start3A_556 = tpu.memref_squeeze %dma_start3A_555 : memref<1x256x64xf32, #tpu.memory_space<vmem>> -> memref<256x64xf32, #tpu.memory_space<vmem>>
      %dma_start3A_557 = arith.constant 0 : i32
      %dma_start3A_558 = tpu.memref_slice %arg4[%add3A_551, %dma_start3A_557] : memref<819200x64xf32, #tpu.memory_space<hbm>> -> memref<256x64xf32, #tpu.memory_space<hbm>>
      %dma_start3A_559 = arith.constant 0 : i32
      %dma_start3A_560 = tpu.memref_slice %arg4[%add3A_551, %dma_start3A_559] : memref<819200x64xf32, #tpu.memory_space<hbm>> -> memref<256x64xf32, #tpu.memory_space<hbm>>
      %dma_start3A_561 = arith.constant 0 : i32
      %dma_start3A_562 = arith.constant 0 : i32
      %dma_start3A_563 = tpu.memref_slice %arg6[%dma_start3A_552, %dma_start3A_561, %dma_start3A_562] : memref<5x256x64xf32, #tpu.memory_space<vmem>> -> memref<1x256x64xf32, #tpu.memory_space<vmem>>
      %dma_start3A_564 = tpu.memref_squeeze %dma_start3A_563 : memref<1x256x64xf32, #tpu.memory_space<vmem>> -> memref<256x64xf32, #tpu.memory_space<vmem>>
      tpu.enqueue_dma source(%dma_start3A_564 : memref<256x64xf32, #tpu.memory_space<vmem>>) target(%dma_start3A_560 : memref<256x64xf32, #tpu.memory_space<hbm>>) target_semaphore(%arg15 : memref<!tpu.dma_semaphore, #tpu.memory_space<semaphore_mem>>)
      %mul3A_565 = arith.constant 5 : i32
      %mul3A_566 = arith.muli %scan3A_331, %mul3A_565 : i32
      %add3A_567 = arith.constant 3 : i32
      %add3A_568 = arith.addi %mul3A_566, %add3A_567 : i32
      %dma_wait3A_569 = arith.constant 3 : i32
      %dma_wait3A_570 = arith.constant 0 : i32
      %dma_wait3A_571 = arith.constant 0 : i32
      %dma_wait3A_572 = tpu.memref_slice %arg6[%dma_wait3A_569, %dma_wait3A_570, %dma_wait3A_571] : memref<5x256x64xf32, #tpu.memory_space<vmem>> -> memref<1x256x64xf32, #tpu.memory_space<vmem>>
      %dma_wait3A_573 = tpu.memref_squeeze %dma_wait3A_572 : memref<1x256x64xf32, #tpu.memory_space<vmem>> -> memref<256x64xf32, #tpu.memory_space<vmem>>
      %dma_wait3A_574 = arith.constant 0 : i32
      %dma_wait3A_575 = arith.constant 0 : i32
      %dma_wait3A_576 = tpu.memref_slice %arg4[%dma_wait3A_574, %dma_wait3A_575] : memref<819200x64xf32, #tpu.memory_space<hbm>> -> memref<256x64xf32, #tpu.memory_space<hbm>>
      %dma_wait3A_577 = arith.constant 0 : i32
      %dma_wait3A_578 = arith.constant 0 : i32
      %dma_wait3A_579 = tpu.memref_slice %arg4[%dma_wait3A_577, %dma_wait3A_578] : memref<819200x64xf32, #tpu.memory_space<hbm>> -> memref<256x64xf32, #tpu.memory_space<hbm>>
      %dma_wait3A_580 = arith.constant 0 : i32
      %dma_wait3A_581 = arith.constant 0 : i32
      %dma_wait3A_582 = tpu.memref_slice %arg6[%dma_wait3A_569, %dma_wait3A_580, %dma_wait3A_581] : memref<5x256x64xf32, #tpu.memory_space<vmem>> -> memref<1x256x64xf32, #tpu.memory_space<vmem>>
      %dma_wait3A_583 = tpu.memref_squeeze %dma_wait3A_582 : memref<1x256x64xf32, #tpu.memory_space<vmem>> -> memref<256x64xf32, #tpu.memory_space<vmem>>
      tpu.wait_dma2 semaphore(%arg15 : memref<!tpu.dma_semaphore, #tpu.memory_space<semaphore_mem>>) src(%dma_wait3A_583 : memref<256x64xf32, #tpu.memory_space<vmem>>) dst(%dma_wait3A_579 : memref<256x64xf32, #tpu.memory_space<hbm>>)
      %mul3A_584 = arith.constant 256 : i32
      %mul3A_585 = arith.muli %add3A_568, %mul3A_584 : i32
      %add3A_586 = arith.constant 0 : i32
      %add3A_587 = arith.addi %mul3A_585, %add3A_586 : i32
      %dma_start3A_588 = arith.constant 3 : i32
      %dma_start3A_589 = arith.constant 0 : i32
      %dma_start3A_590 = arith.constant 0 : i32
      %dma_start3A_591 = tpu.memref_slice %arg6[%dma_start3A_588, %dma_start3A_589, %dma_start3A_590] : memref<5x256x64xf32, #tpu.memory_space<vmem>> -> memref<1x128x64xf32, #tpu.memory_space<vmem>>
      %dma_start3A_592 = tpu.memref_squeeze %dma_start3A_591 : memref<1x128x64xf32, #tpu.memory_space<vmem>> -> memref<128x64xf32, #tpu.memory_space<vmem>>
      %dma_start3A_593 = tpu.memref_slice %arg5[%add3A_587] : memref<25600xi32, #tpu.memory_space<vmem>> -> memref<128xi32, #tpu.memory_space<vmem>>
      %dma_start3A_594 = arith.constant 0 : i32
      %dma_start3A_595 = arith.constant 0 : i32
      %dma_start3A_596 = tpu.memref_slice %arg3[%dma_start3A_594, %dma_start3A_595] : memref<1000000x64xf32, #tpu.memory_space<hbm>> -> memref<1000000x64xf32, #tpu.memory_space<hbm>>
      tpu.enqueue_indirect_dma source(%dma_start3A_596 : memref<1000000x64xf32, #tpu.memory_space<hbm>>) target(%dma_start3A_592 : memref<128x64xf32, #tpu.memory_space<vmem>>) offsets(%dma_start3A_593 : memref<128xi32, #tpu.memory_space<vmem>>) semaphore(%arg10 : memref<!tpu.dma_semaphore, #tpu.memory_space<semaphore_mem>>)
      %mul3A_597 = arith.constant 256 : i32
      %mul3A_598 = arith.muli %add3A_568, %mul3A_597 : i32
      %add3A_599 = arith.constant 128 : i32
      %add3A_600 = arith.addi %mul3A_598, %add3A_599 : i32
      %dma_start3A_601 = arith.constant 3 : i32
      %dma_start3A_602 = arith.constant 128 : i32
      %dma_start3A_603 = arith.constant 0 : i32
      %dma_start3A_604 = tpu.memref_slice %arg6[%dma_start3A_601, %dma_start3A_602, %dma_start3A_603] : memref<5x256x64xf32, #tpu.memory_space<vmem>> -> memref<1x128x64xf32, #tpu.memory_space<vmem>>
      %dma_start3A_605 = tpu.memref_squeeze %dma_start3A_604 : memref<1x128x64xf32, #tpu.memory_space<vmem>> -> memref<128x64xf32, #tpu.memory_space<vmem>>
      %dma_start3A_606 = tpu.memref_slice %arg5[%add3A_600] : memref<25600xi32, #tpu.memory_space<vmem>> -> memref<128xi32, #tpu.memory_space<vmem>>
      %dma_start3A_607 = arith.constant 0 : i32
      %dma_start3A_608 = arith.constant 0 : i32
      %dma_start3A_609 = tpu.memref_slice %arg3[%dma_start3A_607, %dma_start3A_608] : memref<1000000x64xf32, #tpu.memory_space<hbm>> -> memref<1000000x64xf32, #tpu.memory_space<hbm>>
      tpu.enqueue_indirect_dma source(%dma_start3A_609 : memref<1000000x64xf32, #tpu.memory_space<hbm>>) target(%dma_start3A_605 : memref<128x64xf32, #tpu.memory_space<vmem>>) offsets(%dma_start3A_606 : memref<128xi32, #tpu.memory_space<vmem>>) semaphore(%arg10 : memref<!tpu.dma_semaphore, #tpu.memory_space<semaphore_mem>>)
      %sub3A_610 = arith.constant 4 : i32
      %sub3A_611 = arith.subi %add3A_568, %sub3A_610 : i32
      %dma_wait3A_612 = arith.constant 4 : i32
      %dma_wait3A_613 = arith.constant 0 : i32
      %dma_wait3A_614 = arith.constant 0 : i32
      %dma_wait3A_615 = tpu.memref_slice %arg6[%dma_wait3A_612, %dma_wait3A_613, %dma_wait3A_614] : memref<5x256x64xf32, #tpu.memory_space<vmem>> -> memref<1x256x64xf32, #tpu.memory_space<vmem>>
      %dma_wait3A_616 = tpu.memref_squeeze %dma_wait3A_615 : memref<1x256x64xf32, #tpu.memory_space<vmem>> -> memref<256x64xf32, #tpu.memory_space<vmem>>
      %dma_wait3A_617 = arith.constant 0 : i32
      %dma_wait3A_618 = arith.constant 0 : i32
      %dma_wait3A_619 = tpu.memref_slice %arg4[%dma_wait3A_617, %dma_wait3A_618] : memref<819200x64xf32, #tpu.memory_space<hbm>> -> memref<256x64xf32, #tpu.memory_space<hbm>>
      %dma_wait3A_620 = arith.constant 0 : i32
      %dma_wait3A_621 = arith.constant 0 : i32
      %dma_wait3A_622 = tpu.memref_slice %arg6[%dma_wait3A_612, %dma_wait3A_620, %dma_wait3A_621] : memref<5x256x64xf32, #tpu.memory_space<vmem>> -> memref<1x256x64xf32, #tpu.memory_space<vmem>>
      %dma_wait3A_623 = tpu.memref_squeeze %dma_wait3A_622 : memref<1x256x64xf32, #tpu.memory_space<vmem>> -> memref<256x64xf32, #tpu.memory_space<vmem>>
      %dma_wait3A_624 = arith.constant 0 : i32
      %dma_wait3A_625 = arith.constant 0 : i32
      %dma_wait3A_626 = tpu.memref_slice %arg4[%dma_wait3A_624, %dma_wait3A_625] : memref<819200x64xf32, #tpu.memory_space<hbm>> -> memref<256x64xf32, #tpu.memory_space<hbm>>
      tpu.wait_dma2 semaphore(%arg11 : memref<!tpu.dma_semaphore, #tpu.memory_space<semaphore_mem>>) src(%dma_wait3A_626 : memref<256x64xf32, #tpu.memory_space<hbm>>) dst(%dma_wait3A_623 : memref<256x64xf32, #tpu.memory_space<vmem>>)
      %mul3A_627 = arith.constant 256 : i32
      %mul3A_628 = arith.muli %sub3A_611, %mul3A_627 : i32
      %add3A_629 = arith.addi %mul3A_2, %mul3A_628 : i32
      %dma_start3A_630 = arith.constant 4 : i32
      %dma_start3A_631 = arith.constant 0 : i32
      %dma_start3A_632 = arith.constant 0 : i32
      %dma_start3A_633 = tpu.memref_slice %arg6[%dma_start3A_630, %dma_start3A_631, %dma_start3A_632] : memref<5x256x64xf32, #tpu.memory_space<vmem>> -> memref<1x256x64xf32, #tpu.memory_space<vmem>>
      %dma_start3A_634 = tpu.memref_squeeze %dma_start3A_633 : memref<1x256x64xf32, #tpu.memory_space<vmem>> -> memref<256x64xf32, #tpu.memory_space<vmem>>
      %dma_start3A_635 = arith.constant 0 : i32
      %dma_start3A_636 = tpu.memref_slice %arg4[%add3A_629, %dma_start3A_635] : memref<819200x64xf32, #tpu.memory_space<hbm>> -> memref<256x64xf32, #tpu.memory_space<hbm>>
      %dma_start3A_637 = arith.constant 0 : i32
      %dma_start3A_638 = tpu.memref_slice %arg4[%add3A_629, %dma_start3A_637] : memref<819200x64xf32, #tpu.memory_space<hbm>> -> memref<256x64xf32, #tpu.memory_space<hbm>>
      %dma_start3A_639 = arith.constant 0 : i32
      %dma_start3A_640 = arith.constant 0 : i32
      %dma_start3A_641 = tpu.memref_slice %arg6[%dma_start3A_630, %dma_start3A_639, %dma_start3A_640] : memref<5x256x64xf32, #tpu.memory_space<vmem>> -> memref<1x256x64xf32, #tpu.memory_space<vmem>>
      %dma_start3A_642 = tpu.memref_squeeze %dma_start3A_641 : memref<1x256x64xf32, #tpu.memory_space<vmem>> -> memref<256x64xf32, #tpu.memory_space<vmem>>
      tpu.enqueue_dma source(%dma_start3A_642 : memref<256x64xf32, #tpu.memory_space<vmem>>) target(%dma_start3A_638 : memref<256x64xf32, #tpu.memory_space<hbm>>) target_semaphore(%arg16 : memref<!tpu.dma_semaphore, #tpu.memory_space<semaphore_mem>>)
      %mul3A_643 = arith.constant 5 : i32
      %mul3A_644 = arith.muli %scan3A_331, %mul3A_643 : i32
      %add3A_645 = arith.constant 4 : i32
      %add3A_646 = arith.addi %mul3A_644, %add3A_645 : i32
      %dma_wait3A_647 = arith.constant 4 : i32
      %dma_wait3A_648 = arith.constant 0 : i32
      %dma_wait3A_649 = arith.constant 0 : i32
      %dma_wait3A_650 = tpu.memref_slice %arg6[%dma_wait3A_647, %dma_wait3A_648, %dma_wait3A_649] : memref<5x256x64xf32, #tpu.memory_space<vmem>> -> memref<1x256x64xf32, #tpu.memory_space<vmem>>
      %dma_wait3A_651 = tpu.memref_squeeze %dma_wait3A_650 : memref<1x256x64xf32, #tpu.memory_space<vmem>> -> memref<256x64xf32, #tpu.memory_space<vmem>>
      %dma_wait3A_652 = arith.constant 0 : i32
      %dma_wait3A_653 = arith.constant 0 : i32
      %dma_wait3A_654 = tpu.memref_slice %arg4[%dma_wait3A_652, %dma_wait3A_653] : memref<819200x64xf32, #tpu.memory_space<hbm>> -> memref<256x64xf32, #tpu.memory_space<hbm>>
      %dma_wait3A_655 = arith.constant 0 : i32
      %dma_wait3A_656 = arith.constant 0 : i32
      %dma_wait3A_657 = tpu.memref_slice %arg4[%dma_wait3A_655, %dma_wait3A_656] : memref<819200x64xf32, #tpu.memory_space<hbm>> -> memref<256x64xf32, #tpu.memory_space<hbm>>
      %dma_wait3A_658 = arith.constant 0 : i32
      %dma_wait3A_659 = arith.constant 0 : i32
      %dma_wait3A_660 = tpu.memref_slice %arg6[%dma_wait3A_647, %dma_wait3A_658, %dma_wait3A_659] : memref<5x256x64xf32, #tpu.memory_space<vmem>> -> memref<1x256x64xf32, #tpu.memory_space<vmem>>
      %dma_wait3A_661 = tpu.memref_squeeze %dma_wait3A_660 : memref<1x256x64xf32, #tpu.memory_space<vmem>> -> memref<256x64xf32, #tpu.memory_space<vmem>>
      tpu.wait_dma2 semaphore(%arg16 : memref<!tpu.dma_semaphore, #tpu.memory_space<semaphore_mem>>) src(%dma_wait3A_661 : memref<256x64xf32, #tpu.memory_space<vmem>>) dst(%dma_wait3A_657 : memref<256x64xf32, #tpu.memory_space<hbm>>)
      %mul3A_662 = arith.constant 256 : i32
      %mul3A_663 = arith.muli %add3A_646, %mul3A_662 : i32
      %add3A_664 = arith.constant 0 : i32
      %add3A_665 = arith.addi %mul3A_663, %add3A_664 : i32
      %dma_start3A_666 = arith.constant 4 : i32
      %dma_start3A_667 = arith.constant 0 : i32
      %dma_start3A_668 = arith.constant 0 : i32
      %dma_start3A_669 = tpu.memref_slice %arg6[%dma_start3A_666, %dma_start3A_667, %dma_start3A_668] : memref<5x256x64xf32, #tpu.memory_space<vmem>> -> memref<1x128x64xf32, #tpu.memory_space<vmem>>
      %dma_start3A_670 = tpu.memref_squeeze %dma_start3A_669 : memref<1x128x64xf32, #tpu.memory_space<vmem>> -> memref<128x64xf32, #tpu.memory_space<vmem>>
      %dma_start3A_671 = tpu.memref_slice %arg5[%add3A_665] : memref<25600xi32, #tpu.memory_space<vmem>> -> memref<128xi32, #tpu.memory_space<vmem>>
      %dma_start3A_672 = arith.constant 0 : i32
      %dma_start3A_673 = arith.constant 0 : i32
      %dma_start3A_674 = tpu.memref_slice %arg3[%dma_start3A_672, %dma_start3A_673] : memref<1000000x64xf32, #tpu.memory_space<hbm>> -> memref<1000000x64xf32, #tpu.memory_space<hbm>>
      tpu.enqueue_indirect_dma source(%dma_start3A_674 : memref<1000000x64xf32, #tpu.memory_space<hbm>>) target(%dma_start3A_670 : memref<128x64xf32, #tpu.memory_space<vmem>>) offsets(%dma_start3A_671 : memref<128xi32, #tpu.memory_space<vmem>>) semaphore(%arg11 : memref<!tpu.dma_semaphore, #tpu.memory_space<semaphore_mem>>)
      %mul3A_675 = arith.constant 256 : i32
      %mul3A_676 = arith.muli %add3A_646, %mul3A_675 : i32
      %add3A_677 = arith.constant 128 : i32
      %add3A_678 = arith.addi %mul3A_676, %add3A_677 : i32
      %dma_start3A_679 = arith.constant 4 : i32
      %dma_start3A_680 = arith.constant 128 : i32
      %dma_start3A_681 = arith.constant 0 : i32
      %dma_start3A_682 = tpu.memref_slice %arg6[%dma_start3A_679, %dma_start3A_680, %dma_start3A_681] : memref<5x256x64xf32, #tpu.memory_space<vmem>> -> memref<1x128x64xf32, #tpu.memory_space<vmem>>
      %dma_start3A_683 = tpu.memref_squeeze %dma_start3A_682 : memref<1x128x64xf32, #tpu.memory_space<vmem>> -> memref<128x64xf32, #tpu.memory_space<vmem>>
      %dma_start3A_684 = tpu.memref_slice %arg5[%add3A_678] : memref<25600xi32, #tpu.memory_space<vmem>> -> memref<128xi32, #tpu.memory_space<vmem>>
      %dma_start3A_685 = arith.constant 0 : i32
      %dma_start3A_686 = arith.constant 0 : i32
      %dma_start3A_687 = tpu.memref_slice %arg3[%dma_start3A_685, %dma_start3A_686] : memref<1000000x64xf32, #tpu.memory_space<hbm>> -> memref<1000000x64xf32, #tpu.memory_space<hbm>>
      tpu.enqueue_indirect_dma source(%dma_start3A_687 : memref<1000000x64xf32, #tpu.memory_space<hbm>>) target(%dma_start3A_683 : memref<128x64xf32, #tpu.memory_space<vmem>>) offsets(%dma_start3A_684 : memref<128xi32, #tpu.memory_space<vmem>>) semaphore(%arg11 : memref<!tpu.dma_semaphore, #tpu.memory_space<semaphore_mem>>)
      %sub3A_688 = arith.constant 4 : i32
      %sub3A_689 = arith.subi %add3A_646, %sub3A_688 : i32
      %dma_wait3A_690 = arith.constant 0 : i32
      %dma_wait3A_691 = arith.constant 0 : i32
      %dma_wait3A_692 = arith.constant 0 : i32
      %dma_wait3A_693 = tpu.memref_slice %arg6[%dma_wait3A_690, %dma_wait3A_691, %dma_wait3A_692] : memref<5x256x64xf32, #tpu.memory_space<vmem>> -> memref<1x256x64xf32, #tpu.memory_space<vmem>>
      %dma_wait3A_694 = tpu.memref_squeeze %dma_wait3A_693 : memref<1x256x64xf32, #tpu.memory_space<vmem>> -> memref<256x64xf32, #tpu.memory_space<vmem>>
      %dma_wait3A_695 = arith.constant 0 : i32
      %dma_wait3A_696 = arith.constant 0 : i32
      %dma_wait3A_697 = tpu.memref_slice %arg4[%dma_wait3A_695, %dma_wait3A_696] : memref<819200x64xf32, #tpu.memory_space<hbm>> -> memref<256x64xf32, #tpu.memory_space<hbm>>
      %dma_wait3A_698 = arith.constant 0 : i32
      %dma_wait3A_699 = arith.constant 0 : i32
      %dma_wait3A_700 = tpu.memref_slice %arg6[%dma_wait3A_690, %dma_wait3A_698, %dma_wait3A_699] : memref<5x256x64xf32, #tpu.memory_space<vmem>> -> memref<1x256x64xf32, #tpu.memory_space<vmem>>
      %dma_wait3A_701 = tpu.memref_squeeze %dma_wait3A_700 : memref<1x256x64xf32, #tpu.memory_space<vmem>> -> memref<256x64xf32, #tpu.memory_space<vmem>>
      %dma_wait3A_702 = arith.constant 0 : i32
      %dma_wait3A_703 = arith.constant 0 : i32
      %dma_wait3A_704 = tpu.memref_slice %arg4[%dma_wait3A_702, %dma_wait3A_703] : memref<819200x64xf32, #tpu.memory_space<hbm>> -> memref<256x64xf32, #tpu.memory_space<hbm>>
      tpu.wait_dma2 semaphore(%arg7 : memref<!tpu.dma_semaphore, #tpu.memory_space<semaphore_mem>>) src(%dma_wait3A_704 : memref<256x64xf32, #tpu.memory_space<hbm>>) dst(%dma_wait3A_701 : memref<256x64xf32, #tpu.memory_space<vmem>>)
      %mul3A_705 = arith.constant 256 : i32
      %mul3A_706 = arith.muli %sub3A_689, %mul3A_705 : i32
      %add3A_707 = arith.addi %mul3A_2, %mul3A_706 : i32
      %dma_start3A_708 = arith.constant 0 : i32
      %dma_start3A_709 = arith.constant 0 : i32
      %dma_start3A_710 = arith.constant 0 : i32
      %dma_start3A_711 = tpu.memref_slice %arg6[%dma_start3A_708, %dma_start3A_709, %dma_start3A_710] : memref<5x256x64xf32, #tpu.memory_space<vmem>> -> memref<1x256x64xf32, #tpu.memory_space<vmem>>
      %dma_start3A_712 = tpu.memref_squeeze %dma_start3A_711 : memref<1x256x64xf32, #tpu.memory_space<vmem>> -> memref<256x64xf32, #tpu.memory_space<vmem>>
      %dma_start3A_713 = arith.constant 0 : i32
      %dma_start3A_714 = tpu.memref_slice %arg4[%add3A_707, %dma_start3A_713] : memref<819200x64xf32, #tpu.memory_space<hbm>> -> memref<256x64xf32, #tpu.memory_space<hbm>>
      %dma_start3A_715 = arith.constant 0 : i32
      %dma_start3A_716 = tpu.memref_slice %arg4[%add3A_707, %dma_start3A_715] : memref<819200x64xf32, #tpu.memory_space<hbm>> -> memref<256x64xf32, #tpu.memory_space<hbm>>
      %dma_start3A_717 = arith.constant 0 : i32
      %dma_start3A_718 = arith.constant 0 : i32
      %dma_start3A_719 = tpu.memref_slice %arg6[%dma_start3A_708, %dma_start3A_717, %dma_start3A_718] : memref<5x256x64xf32, #tpu.memory_space<vmem>> -> memref<1x256x64xf32, #tpu.memory_space<vmem>>
      %dma_start3A_720 = tpu.memref_squeeze %dma_start3A_719 : memref<1x256x64xf32, #tpu.memory_space<vmem>> -> memref<256x64xf32, #tpu.memory_space<vmem>>
      tpu.enqueue_dma source(%dma_start3A_720 : memref<256x64xf32, #tpu.memory_space<vmem>>) target(%dma_start3A_716 : memref<256x64xf32, #tpu.memory_space<hbm>>) target_semaphore(%arg12 : memref<!tpu.dma_semaphore, #tpu.memory_space<semaphore_mem>>)
    }
    %scan3A_135 = arith.constant 19 : i32
    %dma_wait3A_136 = arith.constant 1 : i32
    %dma_wait3A_137 = arith.constant 0 : i32
    %dma_wait3A_138 = arith.constant 0 : i32
    %dma_wait3A_139 = tpu.memref_slice %arg6[%dma_wait3A_136, %dma_wait3A_137, %dma_wait3A_138] : memref<5x256x64xf32, #tpu.memory_space<vmem>> -> memref<1x256x64xf32, #tpu.memory_space<vmem>>
    %dma_wait3A_140 = tpu.memref_squeeze %dma_wait3A_139 : memref<1x256x64xf32, #tpu.memory_space<vmem>> -> memref<256x64xf32, #tpu.memory_space<vmem>>
    %dma_wait3A_141 = arith.constant 0 : i32
    %dma_wait3A_142 = arith.constant 0 : i32
    %dma_wait3A_143 = tpu.memref_slice %arg4[%dma_wait3A_141, %dma_wait3A_142] : memref<819200x64xf32, #tpu.memory_space<hbm>> -> memref<256x64xf32, #tpu.memory_space<hbm>>
    %dma_wait3A_144 = arith.constant 0 : i32
    %dma_wait3A_145 = arith.constant 0 : i32
    %dma_wait3A_146 = tpu.memref_slice %arg6[%dma_wait3A_136, %dma_wait3A_144, %dma_wait3A_145] : memref<5x256x64xf32, #tpu.memory_space<vmem>> -> memref<1x256x64xf32, #tpu.memory_space<vmem>>
    %dma_wait3A_147 = tpu.memref_squeeze %dma_wait3A_146 : memref<1x256x64xf32, #tpu.memory_space<vmem>> -> memref<256x64xf32, #tpu.memory_space<vmem>>
    %dma_wait3A_148 = arith.constant 0 : i32
    %dma_wait3A_149 = arith.constant 0 : i32
    %dma_wait3A_150 = tpu.memref_slice %arg4[%dma_wait3A_148, %dma_wait3A_149] : memref<819200x64xf32, #tpu.memory_space<hbm>> -> memref<256x64xf32, #tpu.memory_space<hbm>>
    tpu.wait_dma2 semaphore(%arg8 : memref<!tpu.dma_semaphore, #tpu.memory_space<semaphore_mem>>) src(%dma_wait3A_150 : memref<256x64xf32, #tpu.memory_space<hbm>>) dst(%dma_wait3A_147 : memref<256x64xf32, #tpu.memory_space<vmem>>)
    %add3A_151 = arith.constant 24576 : i32
    %add3A_152 = arith.addi %mul3A_2, %add3A_151 : i32
    %dma_start3A_153 = arith.constant 1 : i32
    %dma_start3A_154 = arith.constant 0 : i32
    %dma_start3A_155 = arith.constant 0 : i32
    %dma_start3A_156 = tpu.memref_slice %arg6[%dma_start3A_153, %dma_start3A_154, %dma_start3A_155] : memref<5x256x64xf32, #tpu.memory_space<vmem>> -> memref<1x256x64xf32, #tpu.memory_space<vmem>>
    %dma_start3A_157 = tpu.memref_squeeze %dma_start3A_156 : memref<1x256x64xf32, #tpu.memory_space<vmem>> -> memref<256x64xf32, #tpu.memory_space<vmem>>
    %dma_start3A_158 = arith.constant 0 : i32
    %dma_start3A_159 = tpu.memref_slice %arg4[%add3A_152, %dma_start3A_158] : memref<819200x64xf32, #tpu.memory_space<hbm>> -> memref<256x64xf32, #tpu.memory_space<hbm>>
    %dma_start3A_160 = arith.constant 0 : i32
    %dma_start3A_161 = tpu.memref_slice %arg4[%add3A_152, %dma_start3A_160] : memref<819200x64xf32, #tpu.memory_space<hbm>> -> memref<256x64xf32, #tpu.memory_space<hbm>>
    %dma_start3A_162 = arith.constant 0 : i32
    %dma_start3A_163 = arith.constant 0 : i32
    %dma_start3A_164 = tpu.memref_slice %arg6[%dma_start3A_153, %dma_start3A_162, %dma_start3A_163] : memref<5x256x64xf32, #tpu.memory_space<vmem>> -> memref<1x256x64xf32, #tpu.memory_space<vmem>>
    %dma_start3A_165 = tpu.memref_squeeze %dma_start3A_164 : memref<1x256x64xf32, #tpu.memory_space<vmem>> -> memref<256x64xf32, #tpu.memory_space<vmem>>
    tpu.enqueue_dma source(%dma_start3A_165 : memref<256x64xf32, #tpu.memory_space<vmem>>) target(%dma_start3A_161 : memref<256x64xf32, #tpu.memory_space<hbm>>) target_semaphore(%arg13 : memref<!tpu.dma_semaphore, #tpu.memory_space<semaphore_mem>>)
    %dma_wait3A_166 = arith.constant 2 : i32
    %dma_wait3A_167 = arith.constant 0 : i32
    %dma_wait3A_168 = arith.constant 0 : i32
    %dma_wait3A_169 = tpu.memref_slice %arg6[%dma_wait3A_166, %dma_wait3A_167, %dma_wait3A_168] : memref<5x256x64xf32, #tpu.memory_space<vmem>> -> memref<1x256x64xf32, #tpu.memory_space<vmem>>
    %dma_wait3A_170 = tpu.memref_squeeze %dma_wait3A_169 : memref<1x256x64xf32, #tpu.memory_space<vmem>> -> memref<256x64xf32, #tpu.memory_space<vmem>>
    %dma_wait3A_171 = arith.constant 0 : i32
    %dma_wait3A_172 = arith.constant 0 : i32
    %dma_wait3A_173 = tpu.memref_slice %arg4[%dma_wait3A_171, %dma_wait3A_172] : memref<819200x64xf32, #tpu.memory_space<hbm>> -> memref<256x64xf32, #tpu.memory_space<hbm>>
    %dma_wait3A_174 = arith.constant 0 : i32
    %dma_wait3A_175 = arith.constant 0 : i32
    %dma_wait3A_176 = tpu.memref_slice %arg6[%dma_wait3A_166, %dma_wait3A_174, %dma_wait3A_175] : memref<5x256x64xf32, #tpu.memory_space<vmem>> -> memref<1x256x64xf32, #tpu.memory_space<vmem>>
    %dma_wait3A_177 = tpu.memref_squeeze %dma_wait3A_176 : memref<1x256x64xf32, #tpu.memory_space<vmem>> -> memref<256x64xf32, #tpu.memory_space<vmem>>
    %dma_wait3A_178 = arith.constant 0 : i32
    %dma_wait3A_179 = arith.constant 0 : i32
    %dma_wait3A_180 = tpu.memref_slice %arg4[%dma_wait3A_178, %dma_wait3A_179] : memref<819200x64xf32, #tpu.memory_space<hbm>> -> memref<256x64xf32, #tpu.memory_space<hbm>>
    tpu.wait_dma2 semaphore(%arg9 : memref<!tpu.dma_semaphore, #tpu.memory_space<semaphore_mem>>) src(%dma_wait3A_180 : memref<256x64xf32, #tpu.memory_space<hbm>>) dst(%dma_wait3A_177 : memref<256x64xf32, #tpu.memory_space<vmem>>)
    %add3A_181 = arith.constant 24832 : i32
    %add3A_182 = arith.addi %mul3A_2, %add3A_181 : i32
    %dma_start3A_183 = arith.constant 2 : i32
    %dma_start3A_184 = arith.constant 0 : i32
    %dma_start3A_185 = arith.constant 0 : i32
    %dma_start3A_186 = tpu.memref_slice %arg6[%dma_start3A_183, %dma_start3A_184, %dma_start3A_185] : memref<5x256x64xf32, #tpu.memory_space<vmem>> -> memref<1x256x64xf32, #tpu.memory_space<vmem>>
    %dma_start3A_187 = tpu.memref_squeeze %dma_start3A_186 : memref<1x256x64xf32, #tpu.memory_space<vmem>> -> memref<256x64xf32, #tpu.memory_space<vmem>>
    %dma_start3A_188 = arith.constant 0 : i32
    %dma_start3A_189 = tpu.memref_slice %arg4[%add3A_182, %dma_start3A_188] : memref<819200x64xf32, #tpu.memory_space<hbm>> -> memref<256x64xf32, #tpu.memory_space<hbm>>
    %dma_start3A_190 = arith.constant 0 : i32
    %dma_start3A_191 = tpu.memref_slice %arg4[%add3A_182, %dma_start3A_190] : memref<819200x64xf32, #tpu.memory_space<hbm>> -> memref<256x64xf32, #tpu.memory_space<hbm>>
    %dma_start3A_192 = arith.constant 0 : i32
    %dma_start3A_193 = arith.constant 0 : i32
    %dma_start3A_194 = tpu.memref_slice %arg6[%dma_start3A_183, %dma_start3A_192, %dma_start3A_193] : memref<5x256x64xf32, #tpu.memory_space<vmem>> -> memref<1x256x64xf32, #tpu.memory_space<vmem>>
    %dma_start3A_195 = tpu.memref_squeeze %dma_start3A_194 : memref<1x256x64xf32, #tpu.memory_space<vmem>> -> memref<256x64xf32, #tpu.memory_space<vmem>>
    tpu.enqueue_dma source(%dma_start3A_195 : memref<256x64xf32, #tpu.memory_space<vmem>>) target(%dma_start3A_191 : memref<256x64xf32, #tpu.memory_space<hbm>>) target_semaphore(%arg14 : memref<!tpu.dma_semaphore, #tpu.memory_space<semaphore_mem>>)
    %dma_wait3A_196 = arith.constant 3 : i32
    %dma_wait3A_197 = arith.constant 0 : i32
    %dma_wait3A_198 = arith.constant 0 : i32
    %dma_wait3A_199 = tpu.memref_slice %arg6[%dma_wait3A_196, %dma_wait3A_197, %dma_wait3A_198] : memref<5x256x64xf32, #tpu.memory_space<vmem>> -> memref<1x256x64xf32, #tpu.memory_space<vmem>>
    %dma_wait3A_200 = tpu.memref_squeeze %dma_wait3A_199 : memref<1x256x64xf32, #tpu.memory_space<vmem>> -> memref<256x64xf32, #tpu.memory_space<vmem>>
    %dma_wait3A_201 = arith.constant 0 : i32
    %dma_wait3A_202 = arith.constant 0 : i32
    %dma_wait3A_203 = tpu.memref_slice %arg4[%dma_wait3A_201, %dma_wait3A_202] : memref<819200x64xf32, #tpu.memory_space<hbm>> -> memref<256x64xf32, #tpu.memory_space<hbm>>
    %dma_wait3A_204 = arith.constant 0 : i32
    %dma_wait3A_205 = arith.constant 0 : i32
    %dma_wait3A_206 = tpu.memref_slice %arg6[%dma_wait3A_196, %dma_wait3A_204, %dma_wait3A_205] : memref<5x256x64xf32, #tpu.memory_space<vmem>> -> memref<1x256x64xf32, #tpu.memory_space<vmem>>
    %dma_wait3A_207 = tpu.memref_squeeze %dma_wait3A_206 : memref<1x256x64xf32, #tpu.memory_space<vmem>> -> memref<256x64xf32, #tpu.memory_space<vmem>>
    %dma_wait3A_208 = arith.constant 0 : i32
    %dma_wait3A_209 = arith.constant 0 : i32
    %dma_wait3A_210 = tpu.memref_slice %arg4[%dma_wait3A_208, %dma_wait3A_209] : memref<819200x64xf32, #tpu.memory_space<hbm>> -> memref<256x64xf32, #tpu.memory_space<hbm>>
    tpu.wait_dma2 semaphore(%arg10 : memref<!tpu.dma_semaphore, #tpu.memory_space<semaphore_mem>>) src(%dma_wait3A_210 : memref<256x64xf32, #tpu.memory_space<hbm>>) dst(%dma_wait3A_207 : memref<256x64xf32, #tpu.memory_space<vmem>>)
    %add3A_211 = arith.constant 25088 : i32
    %add3A_212 = arith.addi %mul3A_2, %add3A_211 : i32
    %dma_start3A_213 = arith.constant 3 : i32
    %dma_start3A_214 = arith.constant 0 : i32
    %dma_start3A_215 = arith.constant 0 : i32
    %dma_start3A_216 = tpu.memref_slice %arg6[%dma_start3A_213, %dma_start3A_214, %dma_start3A_215] : memref<5x256x64xf32, #tpu.memory_space<vmem>> -> memref<1x256x64xf32, #tpu.memory_space<vmem>>
    %dma_start3A_217 = tpu.memref_squeeze %dma_start3A_216 : memref<1x256x64xf32, #tpu.memory_space<vmem>> -> memref<256x64xf32, #tpu.memory_space<vmem>>
    %dma_start3A_218 = arith.constant 0 : i32
    %dma_start3A_219 = tpu.memref_slice %arg4[%add3A_212, %dma_start3A_218] : memref<819200x64xf32, #tpu.memory_space<hbm>> -> memref<256x64xf32, #tpu.memory_space<hbm>>
    %dma_start3A_220 = arith.constant 0 : i32
    %dma_start3A_221 = tpu.memref_slice %arg4[%add3A_212, %dma_start3A_220] : memref<819200x64xf32, #tpu.memory_space<hbm>> -> memref<256x64xf32, #tpu.memory_space<hbm>>
    %dma_start3A_222 = arith.constant 0 : i32
    %dma_start3A_223 = arith.constant 0 : i32
    %dma_start3A_224 = tpu.memref_slice %arg6[%dma_start3A_213, %dma_start3A_222, %dma_start3A_223] : memref<5x256x64xf32, #tpu.memory_space<vmem>> -> memref<1x256x64xf32, #tpu.memory_space<vmem>>
    %dma_start3A_225 = tpu.memref_squeeze %dma_start3A_224 : memref<1x256x64xf32, #tpu.memory_space<vmem>> -> memref<256x64xf32, #tpu.memory_space<vmem>>
    tpu.enqueue_dma source(%dma_start3A_225 : memref<256x64xf32, #tpu.memory_space<vmem>>) target(%dma_start3A_221 : memref<256x64xf32, #tpu.memory_space<hbm>>) target_semaphore(%arg15 : memref<!tpu.dma_semaphore, #tpu.memory_space<semaphore_mem>>)
    %dma_wait3A_226 = arith.constant 4 : i32
    %dma_wait3A_227 = arith.constant 0 : i32
    %dma_wait3A_228 = arith.constant 0 : i32
    %dma_wait3A_229 = tpu.memref_slice %arg6[%dma_wait3A_226, %dma_wait3A_227, %dma_wait3A_228] : memref<5x256x64xf32, #tpu.memory_space<vmem>> -> memref<1x256x64xf32, #tpu.memory_space<vmem>>
    %dma_wait3A_230 = tpu.memref_squeeze %dma_wait3A_229 : memref<1x256x64xf32, #tpu.memory_space<vmem>> -> memref<256x64xf32, #tpu.memory_space<vmem>>
    %dma_wait3A_231 = arith.constant 0 : i32
    %dma_wait3A_232 = arith.constant 0 : i32
    %dma_wait3A_233 = tpu.memref_slice %arg4[%dma_wait3A_231, %dma_wait3A_232] : memref<819200x64xf32, #tpu.memory_space<hbm>> -> memref<256x64xf32, #tpu.memory_space<hbm>>
    %dma_wait3A_234 = arith.constant 0 : i32
    %dma_wait3A_235 = arith.constant 0 : i32
    %dma_wait3A_236 = tpu.memref_slice %arg6[%dma_wait3A_226, %dma_wait3A_234, %dma_wait3A_235] : memref<5x256x64xf32, #tpu.memory_space<vmem>> -> memref<1x256x64xf32, #tpu.memory_space<vmem>>
    %dma_wait3A_237 = tpu.memref_squeeze %dma_wait3A_236 : memref<1x256x64xf32, #tpu.memory_space<vmem>> -> memref<256x64xf32, #tpu.memory_space<vmem>>
    %dma_wait3A_238 = arith.constant 0 : i32
    %dma_wait3A_239 = arith.constant 0 : i32
    %dma_wait3A_240 = tpu.memref_slice %arg4[%dma_wait3A_238, %dma_wait3A_239] : memref<819200x64xf32, #tpu.memory_space<hbm>> -> memref<256x64xf32, #tpu.memory_space<hbm>>
    tpu.wait_dma2 semaphore(%arg11 : memref<!tpu.dma_semaphore, #tpu.memory_space<semaphore_mem>>) src(%dma_wait3A_240 : memref<256x64xf32, #tpu.memory_space<hbm>>) dst(%dma_wait3A_237 : memref<256x64xf32, #tpu.memory_space<vmem>>)
    %add3A_241 = arith.constant 25344 : i32
    %add3A_242 = arith.addi %mul3A_2, %add3A_241 : i32
    %dma_start3A_243 = arith.constant 4 : i32
    %dma_start3A_244 = arith.constant 0 : i32
    %dma_start3A_245 = arith.constant 0 : i32
    %dma_start3A_246 = tpu.memref_slice %arg6[%dma_start3A_243, %dma_start3A_244, %dma_start3A_245] : memref<5x256x64xf32, #tpu.memory_space<vmem>> -> memref<1x256x64xf32, #tpu.memory_space<vmem>>
    %dma_start3A_247 = tpu.memref_squeeze %dma_start3A_246 : memref<1x256x64xf32, #tpu.memory_space<vmem>> -> memref<256x64xf32, #tpu.memory_space<vmem>>
    %dma_start3A_248 = arith.constant 0 : i32
    %dma_start3A_249 = tpu.memref_slice %arg4[%add3A_242, %dma_start3A_248] : memref<819200x64xf32, #tpu.memory_space<hbm>> -> memref<256x64xf32, #tpu.memory_space<hbm>>
    %dma_start3A_250 = arith.constant 0 : i32
    %dma_start3A_251 = tpu.memref_slice %arg4[%add3A_242, %dma_start3A_250] : memref<819200x64xf32, #tpu.memory_space<hbm>> -> memref<256x64xf32, #tpu.memory_space<hbm>>
    %dma_start3A_252 = arith.constant 0 : i32
    %dma_start3A_253 = arith.constant 0 : i32
    %dma_start3A_254 = tpu.memref_slice %arg6[%dma_start3A_243, %dma_start3A_252, %dma_start3A_253] : memref<5x256x64xf32, #tpu.memory_space<vmem>> -> memref<1x256x64xf32, #tpu.memory_space<vmem>>
    %dma_start3A_255 = tpu.memref_squeeze %dma_start3A_254 : memref<1x256x64xf32, #tpu.memory_space<vmem>> -> memref<256x64xf32, #tpu.memory_space<vmem>>
    tpu.enqueue_dma source(%dma_start3A_255 : memref<256x64xf32, #tpu.memory_space<vmem>>) target(%dma_start3A_251 : memref<256x64xf32, #tpu.memory_space<hbm>>) target_semaphore(%arg16 : memref<!tpu.dma_semaphore, #tpu.memory_space<semaphore_mem>>)
    %dma_wait3A_256 = arith.constant 0 : i32
    %dma_wait3A_257 = arith.constant 0 : i32
    %dma_wait3A_258 = arith.constant 0 : i32
    %dma_wait3A_259 = tpu.memref_slice %arg6[%dma_wait3A_256, %dma_wait3A_257, %dma_wait3A_258] : memref<5x256x64xf32, #tpu.memory_space<vmem>> -> memref<1x256x64xf32, #tpu.memory_space<vmem>>
    %dma_wait3A_260 = tpu.memref_squeeze %dma_wait3A_259 : memref<1x256x64xf32, #tpu.memory_space<vmem>> -> memref<256x64xf32, #tpu.memory_space<vmem>>
    %dma_wait3A_261 = arith.constant 0 : i32
    %dma_wait3A_262 = arith.constant 0 : i32
    %dma_wait3A_263 = tpu.memref_slice %arg4[%dma_wait3A_261, %dma_wait3A_262] : memref<819200x64xf32, #tpu.memory_space<hbm>> -> memref<256x64xf32, #tpu.memory_space<hbm>>
    %dma_wait3A_264 = arith.constant 0 : i32
    %dma_wait3A_265 = arith.constant 0 : i32
    %dma_wait3A_266 = tpu.memref_slice %arg4[%dma_wait3A_264, %dma_wait3A_265] : memref<819200x64xf32, #tpu.memory_space<hbm>> -> memref<256x64xf32, #tpu.memory_space<hbm>>
    %dma_wait3A_267 = arith.constant 0 : i32
    %dma_wait3A_268 = arith.constant 0 : i32
    %dma_wait3A_269 = tpu.memref_slice %arg6[%dma_wait3A_256, %dma_wait3A_267, %dma_wait3A_268] : memref<5x256x64xf32, #tpu.memory_space<vmem>> -> memref<1x256x64xf32, #tpu.memory_space<vmem>>
    %dma_wait3A_270 = tpu.memref_squeeze %dma_wait3A_269 : memref<1x256x64xf32, #tpu.memory_space<vmem>> -> memref<256x64xf32, #tpu.memory_space<vmem>>
    tpu.wait_dma2 semaphore(%arg12 : memref<!tpu.dma_semaphore, #tpu.memory_space<semaphore_mem>>) src(%dma_wait3A_270 : memref<256x64xf32, #tpu.memory_space<vmem>>) dst(%dma_wait3A_266 : memref<256x64xf32, #tpu.memory_space<hbm>>)
    %dma_wait3A_271 = arith.constant 1 : i32
    %dma_wait3A_272 = arith.constant 0 : i32
    %dma_wait3A_273 = arith.constant 0 : i32
    %dma_wait3A_274 = tpu.memref_slice %arg6[%dma_wait3A_271, %dma_wait3A_272, %dma_wait3A_273] : memref<5x256x64xf32, #tpu.memory_space<vmem>> -> memref<1x256x64xf32, #tpu.memory_space<vmem>>
    %dma_wait3A_275 = tpu.memref_squeeze %dma_wait3A_274 : memref<1x256x64xf32, #tpu.memory_space<vmem>> -> memref<256x64xf32, #tpu.memory_space<vmem>>
    %dma_wait3A_276 = arith.constant 0 : i32
    %dma_wait3A_277 = arith.constant 0 : i32
    %dma_wait3A_278 = tpu.memref_slice %arg4[%dma_wait3A_276, %dma_wait3A_277] : memref<819200x64xf32, #tpu.memory_space<hbm>> -> memref<256x64xf32, #tpu.memory_space<hbm>>
    %dma_wait3A_279 = arith.constant 0 : i32
    %dma_wait3A_280 = arith.constant 0 : i32
    %dma_wait3A_281 = tpu.memref_slice %arg4[%dma_wait3A_279, %dma_wait3A_280] : memref<819200x64xf32, #tpu.memory_space<hbm>> -> memref<256x64xf32, #tpu.memory_space<hbm>>
    %dma_wait3A_282 = arith.constant 0 : i32
    %dma_wait3A_283 = arith.constant 0 : i32
    %dma_wait3A_284 = tpu.memref_slice %arg6[%dma_wait3A_271, %dma_wait3A_282, %dma_wait3A_283] : memref<5x256x64xf32, #tpu.memory_space<vmem>> -> memref<1x256x64xf32, #tpu.memory_space<vmem>>
    %dma_wait3A_285 = tpu.memref_squeeze %dma_wait3A_284 : memref<1x256x64xf32, #tpu.memory_space<vmem>> -> memref<256x64xf32, #tpu.memory_space<vmem>>
    tpu.wait_dma2 semaphore(%arg13 : memref<!tpu.dma_semaphore, #tpu.memory_space<semaphore_mem>>) src(%dma_wait3A_285 : memref<256x64xf32, #tpu.memory_space<vmem>>) dst(%dma_wait3A_281 : memref<256x64xf32, #tpu.memory_space<hbm>>)
    %dma_wait3A_286 = arith.constant 2 : i32
    %dma_wait3A_287 = arith.constant 0 : i32
    %dma_wait3A_288 = arith.constant 0 : i32
    %dma_wait3A_289 = tpu.memref_slice %arg6[%dma_wait3A_286, %dma_wait3A_287, %dma_wait3A_288] : memref<5x256x64xf32, #tpu.memory_space<vmem>> -> memref<1x256x64xf32, #tpu.memory_space<vmem>>
    %dma_wait3A_290 = tpu.memref_squeeze %dma_wait3A_289 : memref<1x256x64xf32, #tpu.memory_space<vmem>> -> memref<256x64xf32, #tpu.memory_space<vmem>>
    %dma_wait3A_291 = arith.constant 0 : i32
    %dma_wait3A_292 = arith.constant 0 : i32
    %dma_wait3A_293 = tpu.memref_slice %arg4[%dma_wait3A_291, %dma_wait3A_292] : memref<819200x64xf32, #tpu.memory_space<hbm>> -> memref<256x64xf32, #tpu.memory_space<hbm>>
    %dma_wait3A_294 = arith.constant 0 : i32
    %dma_wait3A_295 = arith.constant 0 : i32
    %dma_wait3A_296 = tpu.memref_slice %arg4[%dma_wait3A_294, %dma_wait3A_295] : memref<819200x64xf32, #tpu.memory_space<hbm>> -> memref<256x64xf32, #tpu.memory_space<hbm>>
    %dma_wait3A_297 = arith.constant 0 : i32
    %dma_wait3A_298 = arith.constant 0 : i32
    %dma_wait3A_299 = tpu.memref_slice %arg6[%dma_wait3A_286, %dma_wait3A_297, %dma_wait3A_298] : memref<5x256x64xf32, #tpu.memory_space<vmem>> -> memref<1x256x64xf32, #tpu.memory_space<vmem>>
    %dma_wait3A_300 = tpu.memref_squeeze %dma_wait3A_299 : memref<1x256x64xf32, #tpu.memory_space<vmem>> -> memref<256x64xf32, #tpu.memory_space<vmem>>
    tpu.wait_dma2 semaphore(%arg14 : memref<!tpu.dma_semaphore, #tpu.memory_space<semaphore_mem>>) src(%dma_wait3A_300 : memref<256x64xf32, #tpu.memory_space<vmem>>) dst(%dma_wait3A_296 : memref<256x64xf32, #tpu.memory_space<hbm>>)
    %dma_wait3A_301 = arith.constant 3 : i32
    %dma_wait3A_302 = arith.constant 0 : i32
    %dma_wait3A_303 = arith.constant 0 : i32
    %dma_wait3A_304 = tpu.memref_slice %arg6[%dma_wait3A_301, %dma_wait3A_302, %dma_wait3A_303] : memref<5x256x64xf32, #tpu.memory_space<vmem>> -> memref<1x256x64xf32, #tpu.memory_space<vmem>>
    %dma_wait3A_305 = tpu.memref_squeeze %dma_wait3A_304 : memref<1x256x64xf32, #tpu.memory_space<vmem>> -> memref<256x64xf32, #tpu.memory_space<vmem>>
    %dma_wait3A_306 = arith.constant 0 : i32
    %dma_wait3A_307 = arith.constant 0 : i32
    %dma_wait3A_308 = tpu.memref_slice %arg4[%dma_wait3A_306, %dma_wait3A_307] : memref<819200x64xf32, #tpu.memory_space<hbm>> -> memref<256x64xf32, #tpu.memory_space<hbm>>
    %dma_wait3A_309 = arith.constant 0 : i32
    %dma_wait3A_310 = arith.constant 0 : i32
    %dma_wait3A_311 = tpu.memref_slice %arg4[%dma_wait3A_309, %dma_wait3A_310] : memref<819200x64xf32, #tpu.memory_space<hbm>> -> memref<256x64xf32, #tpu.memory_space<hbm>>
    %dma_wait3A_312 = arith.constant 0 : i32
    %dma_wait3A_313 = arith.constant 0 : i32
    %dma_wait3A_314 = tpu.memref_slice %arg6[%dma_wait3A_301, %dma_wait3A_312, %dma_wait3A_313] : memref<5x256x64xf32, #tpu.memory_space<vmem>> -> memref<1x256x64xf32, #tpu.memory_space<vmem>>
    %dma_wait3A_315 = tpu.memref_squeeze %dma_wait3A_314 : memref<1x256x64xf32, #tpu.memory_space<vmem>> -> memref<256x64xf32, #tpu.memory_space<vmem>>
    tpu.wait_dma2 semaphore(%arg15 : memref<!tpu.dma_semaphore, #tpu.memory_space<semaphore_mem>>) src(%dma_wait3A_315 : memref<256x64xf32, #tpu.memory_space<vmem>>) dst(%dma_wait3A_311 : memref<256x64xf32, #tpu.memory_space<hbm>>)
    %dma_wait3A_316 = arith.constant 4 : i32
    %dma_wait3A_317 = arith.constant 0 : i32
    %dma_wait3A_318 = arith.constant 0 : i32
    %dma_wait3A_319 = tpu.memref_slice %arg6[%dma_wait3A_316, %dma_wait3A_317, %dma_wait3A_318] : memref<5x256x64xf32, #tpu.memory_space<vmem>> -> memref<1x256x64xf32, #tpu.memory_space<vmem>>
    %dma_wait3A_320 = tpu.memref_squeeze %dma_wait3A_319 : memref<1x256x64xf32, #tpu.memory_space<vmem>> -> memref<256x64xf32, #tpu.memory_space<vmem>>
    %dma_wait3A_321 = arith.constant 0 : i32
    %dma_wait3A_322 = arith.constant 0 : i32
    %dma_wait3A_323 = tpu.memref_slice %arg4[%dma_wait3A_321, %dma_wait3A_322] : memref<819200x64xf32, #tpu.memory_space<hbm>> -> memref<256x64xf32, #tpu.memory_space<hbm>>
    %dma_wait3A_324 = arith.constant 0 : i32
    %dma_wait3A_325 = arith.constant 0 : i32
    %dma_wait3A_326 = tpu.memref_slice %arg4[%dma_wait3A_324, %dma_wait3A_325] : memref<819200x64xf32, #tpu.memory_space<hbm>> -> memref<256x64xf32, #tpu.memory_space<hbm>>
    %dma_wait3A_327 = arith.constant 0 : i32
    %dma_wait3A_328 = arith.constant 0 : i32
    %dma_wait3A_329 = tpu.memref_slice %arg6[%dma_wait3A_316, %dma_wait3A_327, %dma_wait3A_328] : memref<5x256x64xf32, #tpu.memory_space<vmem>> -> memref<1x256x64xf32, #tpu.memory_space<vmem>>
    %dma_wait3A_330 = tpu.memref_squeeze %dma_wait3A_329 : memref<1x256x64xf32, #tpu.memory_space<vmem>> -> memref<256x64xf32, #tpu.memory_space<vmem>>
    tpu.wait_dma2 semaphore(%arg16 : memref<!tpu.dma_semaphore, #tpu.memory_space<semaphore_mem>>) src(%dma_wait3A_330 : memref<256x64xf32, #tpu.memory_space<vmem>>) dst(%dma_wait3A_326 : memref<256x64xf32, #tpu.memory_space<hbm>>)
    return
  }
}

</mosaic_0001>

<sc_bundles>
// kernel: kernel.3.cloned.1.call-start
scs
__scs_entry_jumppad:
0x0: {  	(pc) =	sbr.rel $0x88, $3  }
0x1: {  	(tag) =	ssettag $0x0;
	lr =	simm.s32 $0x1  }
0x2: {  	[smem:$0x3F9F] =	sst lr;
	_ =	strace $0xD0000000  }
0x3: {  	_ = 	snop  }
0x4: {  	_ = 	snop  }
0x5: {  	_ = 	snop  }
0x6: {  	_ = 	snop  }
0x7: {  	_ = 	snop  }
__scs_overlays_trampoline_lowered:
0x8: {  	[smem:$0x3FAE] =	sst s0  }
0x9: {  	[smem:$0x3FAF] =	sst s1  }
0xa: {  	[smem:$0x3FB0] =	sst s2  }
0xb: {  	[smem:$0x3FB1] =	sst s3  }
0xc: {  	[smem:$0x3FB2] =	sst s4  }
0xd: {  	[smem:$0x3FB3] =	sst s5  }
0xe: {  	[smem:$0x3FB4] =	sst s6  }
0xf: {  	[smem:$0x3FB5] =	sst s7  }
0x10: {  	[smem:$0x3FB6] =	sst s8  }
0x11: {  	[smem:$0x3FB7] =	sst s9;
	s0 =	simm.s32 @!p0 $0x0  }
0x12: {  	s1 =	sld [smem:$0x3F9D];
	s0 =	simm.s32 @p0 $0x1  }
0x13: {  	[smem:$0x3FB8] =	sst s0;
	s0 =	simm.s32 @!p1 $0x0  }
0x14: {  	s2 =	sld [smem:$0x3F9C];
	s0 =	simm.s32 @p1 $0x1  }
0x15: {  	[smem:$0x3FB9] =	sst s0;
	s0 =	simm.s32 @!p2 $0x0  }
0x16: {  	s3 =	sld [smem:$0x3FDB];
	s0 =	simm.s32 @p2 $0x1  }
0x17: {  	s4 =	simm.s32 $0x1BF5;
	[smem:$0x3FBB] =	sst s0  }
0x18: {  	s0 =	sld [smem:$0x3F9E];
	_ =	swait.ge [sflag:s4], $0x0  }
0x19: {  	s7 =	sld [smem:$0x3F9F]  }
0x1a: {  	s8 =	sadd.s32 $0xFFFFE003, lr  }
0x1b: {  	s9 =	sadd.s32 $0xFFFFFEF7, lr;
	s5 =	simm.s32 $0xFFFFFFFF;
	p2 =	slt.u32 s8, $0xFFFFF086  }
0x1c: {  	p1 =	slt.u32 s9, $0xF7A;
	s5 =	simm.s32 @!p2 $0x0  }
0x1d: {  	s5 =	simm.s32 @p1 $0x1;
	p0 =	seq.s32 s7, s2  }
0x1e: {  	s7 =	smul.u32 @!p0 $0xF7A, s2;
	p2 =	seq.s32 @!p0 s5, $0x0  }
0x1f: {  	s9 =	smul.u32 $0xF7A, s1;
	s8 =	simm.s32 @!p0 $0x1BF5;
	p2 =	por !p2, p0  }
0x20: {  	[sflag:s8] =	ssyncset.s32 @!p0 $0xFFFFF086;
	s6 =	sadd.s32 @!p0 s3, s7;
	s7 =	simm.s32 @!p0 $0x108  }
0x21: {  	s3 =	sadd.s32 s3, s9;
	s6 =	sadd.s32 @!p0 $0x88, s6;
	s7 =	simm.s32 @p2 $0x1082  }
0x22: {  	[simem:s7], [sflag:s8] =	dma.local @!p0 [hbm:s6], $0xF7A  }
0x23: {  	s9 =	sor.u32 $0xD0000000, s2;
	s6 =	simm.s32 $0x108;
	_ =	swait.ge @!p0 [sflag:s8], $0x0  }
0x24: {  	s3 =	sadd.s32 $0x88, s3;
	s6 =	simm.s32 @!p1 $0x1082;
	[sflag:s4] =	ssyncset.s32 $0xFFFFF086  }
0x25: {  	[simem:s6], [sflag:s4] =	dma.local [hbm:s3], $0xF7A  }
0x26: {  	[smem:$0x3F9F] =	sst s1;
	(tag) =	ssettag s2;
	_ =	strace s9  }
0x27: {  	s1 =	sld [smem:$0x3FAF]  }
0x28: {  	s2 =	sld [smem:$0x3FB0]  }
0x29: {  	s4 =	sld [smem:$0x3FB2]  }
0x2a: {  	p0 =	seq.s32 s5, $0x0;
	s5 =	sld [smem:$0x3FB3]  }
0x2b: {  	s6 =	sld [smem:$0x3FB4]  }
0x2c: {  	s7 =	sld [smem:$0x3FB5]  }
0x2d: {  	s3 =	simm.s32 $0x108;
	s8 =	sld [smem:$0x3FB6]  }
0x2e: {  	s3 =	simm.s32 @!p0 $0x1082;
	s9 =	sld [smem:$0x3FB7]  }
0x2f: {  	lr =	sadd.s32 s0, s3;
	s0 =	sld [smem:$0x3FAE]  }
0x30: {  	s3 =	sld [smem:$0x3FB1]  }
0x31: {  	[smem:$0x3FBA] =	sst s10  }
0x32: {  	s10 =	sld [smem:$0x3FB8];
	_ =	sdelay $0x3  }
0x33: {  	p0 =	seq.s32 s10, $0x1;
	s10 =	sld [smem:$0x3FBA];
	_ =	sdelay $0x3  }
0x34: {  	[smem:$0x3FBA] =	sst s10  }
0x35: {  	s10 =	sld [smem:$0x3FB9];
	_ =	sdelay $0x3  }
0x36: {  	p1 =	seq.s32 s10, $0x1;
	s10 =	sld [smem:$0x3FBA];
	_ =	sdelay $0x3  }
0x37: {  	[smem:$0x3FBA] =	sst s10  }
0x38: {  	s10 =	sld [smem:$0x3FBB]  }
0x39: {  	_ = 	snop;
	(pc) =	sbr.ind lr, $3  }
0x3a: {  	_ = 	snop  }
0x3b: {  	_ = 	snop  }
0x3c: {  	p2 =	seq.s32 s10, $0x1;
	s10 =	sld [smem:$0x3FBA]  }
0x3d: {  	_ =	shalt  }
0x3e: {  	_ =	shalt  }
0x3f: {  	_ =	shalt  }
0x40: {  	_ =	shalt  }
0x41: {  	_ =	shalt  }
0x42: {  	_ =	shalt  }
0x43: {  	_ =	shalt  }
0x44: {  	_ =	shalt  }
0x45: {  	_ =	shalt  }
0x46: {  	_ =	shalt  }
0x47: {  	_ =	shalt  }
0x48: {  	_ =	shalt  }
0x49: {  	_ =	shalt  }
0x4a: {  	_ =	shalt  }
0x4b: {  	_ =	shalt  }
0x4c: {  	_ =	shalt  }
0x4d: {  	_ =	shalt  }
0x4e: {  	_ =	shalt  }
0x4f: {  	_ =	shalt  }
0x50: {  	_ =	shalt  }
0x51: {  	_ =	shalt  }
0x52: {  	_ =	shalt  }
0x53: {  	_ =	shalt  }
0x54: {  	_ =	shalt  }
0x55: {  	_ =	shalt  }
0x56: {  	_ =	shalt  }
0x57: {  	_ =	shalt  }
0x58: {  	_ =	shalt  }
0x59: {  	_ =	shalt  }
0x5a: {  	_ =	shalt  }
0x5b: {  	_ =	shalt  }
0x5c: {  	_ =	shalt  }
0x5d: {  	_ =	shalt  }
0x5e: {  	_ =	shalt  }
0x5f: {  	_ =	shalt  }
0x60: {  	_ =	shalt  }
0x61: {  	_ =	shalt  }
0x62: {  	_ =	shalt  }
0x63: {  	_ =	shalt  }
0x64: {  	_ =	shalt  }
0x65: {  	_ =	shalt  }
0x66: {  	_ =	shalt  }
0x67: {  	_ =	shalt  }
0x68: {  	_ =	shalt  }
0x69: {  	_ =	shalt  }
0x6a: {  	_ =	shalt  }
0x6b: {  	_ =	shalt  }
0x6c: {  	_ =	shalt  }
0x6d: {  	_ =	shalt  }
0x6e: {  	_ =	shalt  }
0x6f: {  	_ =	shalt  }
0x70: {  	_ =	shalt  }
0x71: {  	_ =	shalt  }
0x72: {  	_ =	shalt  }
0x73: {  	_ =	shalt  }
0x74: {  	_ =	shalt  }
0x75: {  	_ =	shalt  }
0x76: {  	_ =	shalt  }
0x77: {  	_ =	shalt  }
0x78: {  	_ =	shalt  }
0x79: {  	_ =	shalt  }
0x7a: {  	_ =	shalt  }
0x7b: {  	_ =	shalt  }
0x7c: {  	_ =	shalt  }
0x7d: {  	_ =	shalt  }
0x7e: {  	_ =	shalt  }
0x7f: {  	_ =	shalt  }
0x80: {  	_ =	shalt  }
0x81: {  	_ =	shalt  }
0x82: {  	_ =	shalt  }
0x83: {  	_ =	shalt  }
0x84: {  	_ =	shalt  }
0x85: {  	_ =	shalt  }
0x86: {  	_ =	shalt  }
0x87: {  	_ =	shalt  }
.Lfunc_end0:
.L_simem_size_0:
called_computation.1_lowered:
.L_overlay_start_0:
0x88: {  	s2 =	sld [smem:$0x3FD9]  }
0x89: {  	s3 =	sld [smem:$0x3FFE];
	_ =	sdelay $0x1  }
0x8a: {  	s1 =	srdreg.scid  }
0x8b: {  	s0 =	sand.u32 $0x1, s1  }
0x8c: {  	s17 =	sshll.u32 s0, $0xA;
	s2 =	sadd.s32 s3, s2  }
0x8d: {  	s2 =	sadd.s32 s2, s17  }
0x8e: {  	[smem:$0x3FC6] =	sst s2  }
0x8f: {  	_ = 	snop  }
0x90: {  	s2 =	sld [smem:$0x3FD0];
	(tm) =	ssettm $0x1  }
0x91: {  	s18 =	sld [smem:$0x3FFB];
	_ =	sdelay $0x3  }
0x92: {  	_ =	strace s18  }
0x93: {  	s3 =	sld [smem:$0x3FFC];
	_ =	sdelay $0x3  }
0x94: {  	_ =	strace s3  }
0x95: {  	s3 =	sld [smem:$0x3FFD];
	_ =	sdelay $0x3  }
0x96: {  	_ =	strace s3  }
0x97: {  	_ =	strace $0x8FFFFFFF  }
0x98: {  	s19 =	sld [smem:$0x3FDB];
	_ =	sdelay $0x1  }
0x99: {  	s4 =	simm.s32 $_scs_section_size  }
0x9a: {  	s5 =	simm.s32 $_size__tile_overlayer_lowered;
	s6 =	simm.s32 $_tile_overlayer_lowered  }
0x9b: {  	s22 =	simm.s32 $0x1BFF;
	s21 =	sshll.u32 s6, $0x1;
	s3 =	sadd.s32 s4, s19  }
0x9c: {  	s7 =	simm.s32 $0x0;
	s20 =	sshll.u32 s5, $0x1;
	s5 =	sadd.s32 s21, s3  }
0x9d: {  	[timem:s7], [sflag:s22] =	dma.local [hbm:s5], s20  }
0x9e: {  	_ =	swait.ge [sflag:s22], s20  }
0x9f: {  	s4 =	ssub.s32 $0x0, s20;
	[sflag:s22] =	ssyncset.done $0x0  }
0xa0: {  	[sflag:s22] =	ssyncadd.s32 s4;
	_ =	sdelay $0x1  }
0xa1: {  	s23 =	simm.s32 $0x1B8B  }
0xa2: {  	_ =	swait.ge [sflag:s23], $0x1  }
0xa3: {  	[sflag:s23] =	ssyncset.done $0x0  }
0xa4: {  	s25 =	simm.s32 $0x1B8E;
	s24 =	sld [smem:$0x3FFE];
	[sflag:s23] =	ssyncadd.s32 $0xFFFFFFFF  }
0xa5: {  	s26 =	simm.s32 $execute0_lowered;
	[smem:$0x3FD2] =	sst s25  }
0xa6: {  	s5 =	sshll.u32 s26, $0x1;
	_ =	strace $0x80000046;
	[dreg:$0x1] =	wrdreg $0xFFFFFFFF  }
0xa7: {  	s28 =	simm.s32 $_size_execute0_lowered;
	s3 =	sadd.s32 s3, s5;
	[dreg:$0x0] =	wrdreg $0x0  }
0xa8: {  	s5 =	sshll.u32 s28, $0x1;
	[dreg:$0x2] =	wrdreg s3  }
0xa9: {  	[dreg:$0x3] =	wrdreg s5  }
0xaa: {  	[dreg:$0x4] =	wrdreg $0xC0  }
0xab: {  	_ =	task [dreg:s7], $0x5FFFF  }
0xac: {  	[dreg:$0x1] =	wrdreg $0xFFFFFFFF  }
0xad: {  	[dreg:$0x0] =	wrdreg $0x60  }
0xae: {  	[dreg:$0x2] =	wrdreg s24  }
0xaf: {  	[dreg:$0x3] =	wrdreg s2  }
0xb0: {  	[dreg:$0x4] =	wrdreg $0x9  }
0xb1: {  	_ =	task.clear_ibuf [dreg:s7], $0x5FFFF;
	_ =	strace $0x90000046  }
0xb2: {  	s29 =	simm.s32 $0x9;
	_ =	strace $0x80000048  }
0xb3: {  	_ =	swait.ge [sflag:s29], $0x1  }
0xb4: {  	[sflag:s29] =	ssyncadd.s32 $0xFFFFFFFF  }
0xb5: {  	_ =	strace $0x90000048  }
0xb6: {  	_ =	sfence  }
0xb7: {  	s30 =	sld [smem:$0x0];
	_ =	sdelay $0x2  }
0xb8: {  	s31 =	sshll.u32 s1, $0xD;
	s1 =	sshrl.u32 s1, $0x2  }
0xb9: {  	s3 =	sand.u32 $0x4000, s31;
	s1 =	sadd.s32 s1, s30  }
0xba: {  	s0 =	sor.u32 s3, s0;
	s1 =	sshll.u32 s1, $0x11  }
0xbb: {  	s0 =	sor.u32 s1, s0  }
0xbc: {  	s0 =	sadd.s32 $0x8F2B, s0  }
0xbd: {  	[sflag:s0] =	ssyncadd.remote.s32 $0x1  }
0xbe: {  	_ =	sfence.sel $0xFFFF  }
0xbf: {  	[dreg:$0x0] =	wrdreg $0xFFFFFFFF;
	(pc) =	sbr.abs _section_cstart, $3  }
0xc0: {  	[dreg:$0x1] =	wrdreg $0xFFFFFFFF  }
0xc1: {  	_ =	task.clear_ibuf [dreg:s7], $0x2FFFF;
	_ =	strace $0x9FFFFFFF  }
0xc2: {  	(tm) =	ssettm $0x7FFFFFFF  }
0xc3: {  	_ =	shalt  }
tec
execute0_lowered:
.L_overlay_start_1:
0x0: {  	(tag) =	ssettag $0x1  }
0x1: {  	s0 =	srdreg.scid;
	s1 =	rddreg [dreg:$0x0]  }
0x2: {  	s9 =	stileid.u32;
	s4 =	rddreg [dreg:$0x1];
	s10 =	simm.s32 $0x8400  }
0x3: {  	s11 =	simm.s32 $0xC400;
	s30 =	simm.s32 $0x12400;
	s13 =	simm.s32 $0x14400  }
0x4: {  	s0 =	sand.u32 $0x1, s0;
	s2 =	sshll.u32 s9, $0x1;
	s9 =	smul.u32 $0xC800, s9  }
0x5: {  	s3 =	sor.u32 s0, s2;
	s8 =	ssub.s32 $0x2, s0;
	s0 =	smul.u32 $0x6400, s0  }
0x6: {  	s29 =	simm.s32 $0x6;
	s31 =	simm.s32 $0x2;
	s5 =	smul.u32 $0x6400, s3  }
0x7: {  	s12 =	simm.s32 $0x0;
	s2 =	simm.s32 $0x0;
	s6 =	smul.u32 $0x32000, s3  }
0x8: {  	s28 =	simm.s32 $0xC400;
	[smem:$0x7FF] =	sst s2;
	s7 =	smul.u32 $0x190000, s3  }
0x9: {  	s3 =	sadd.s32 $0xF42E00, s1;
	s17 =	sshrl.u32 s8, $0x1;
	_ =	strace $0x80000047  }
0xa: {  	s0 =	sadd.s32 s0, s9;
	s5 =	sshrl.u32 s5, $0x3;
	s18 =	sshrl.u32 s7, $0x3  }
0xb: {  	s6 =	sadd.s32 s4, s6;
	s0 =	sshll.u32 s0, $0x3;
	s7 =	simm.s32 $0x5  }
0xc: {  	s5 =	sadd.s32 s5, s1;
	s1 =	ssub.s32 s8, s17;
	[dreg:$0x4] =	wrdreg s6  }
0xd: {  	s22 =	sadd.s32 $0x20002000, s0;
	s0 =	sadd.s32 s4, s0;
	s5 =	sadd.s32 $0xA00, s5  }
0xe: {  	s17 =	simm.s32 $0x80;
	s1 =	smax.u32 s1, $0x1;
	[dreg:$0x3] =	wrdreg s5  }
0xf: {  	s6 =	simm.s32 $0x9;
	s24 =	sadd.s32 $0x1800, s0;
	[dreg:$0x9] =	wrdreg s1  }
0x10: {  	s8 =	simm.s32 $0xA;
	s25 =	sadd.s32 $0x1000, s0;
	[dreg:$0xb] =	wrdreg s24  }
0x11: {  	s23 =	sand.u32 $0x1FFE000, s22;
	s26 =	sadd.s32 $0x800, s0;
	[dreg:$0xc] =	wrdreg s25  }
0x12: {  	s0 =	sadd.s32 $0x2800, s0;
	s22 =	simm.s32 $0x3;
	[dreg:$0xd] =	wrdreg s26  }
0x13: {  	s5 =	sadd.s32 s4, s18;
	s1 =	sadd.s32 s23, s4;
	[dreg:$0xe] =	wrdreg s0  }
0x14: {  	s18 =	simm.s32 $0x6400;
	s25 =	simm.s32 $0xE400;
	s26 =	simm.s32 $0x1  }
0x15: {  	s0 =	simm.s32 $0x7;
	s19 =	sadd.s32 $0x30000, s5;
	[dreg:$0xa] =	wrdreg s1  }
0x16: {  	s4 =	simm.s32 $0x8;
	s20 =	sadd.s32 $0x30800, s5;
	[dreg:$0x5] =	wrdreg s19  }
0x17: {  	s24 =	simm.s32 $0x14400;
	s21 =	sadd.s32 $0x31000, s5;
	[dreg:$0x6] =	wrdreg s20  }
0x18: {  	s23 =	simm.s32 $0x8400;
	s5 =	sadd.s32 $0x31800, s5;
	[dreg:$0x7] =	wrdreg s21  }
0x19: {  	s1 =	simm.s32 $0x10400;
	[dreg:$0x8] =	wrdreg s5;
	s21 =	simm.s32 $0xA400  }
0x1a: {  	s20 =	simm.s32 $0x16400;
	s19 =	simm.s32 $0x18400;
	s5 =	simm.s32 $0x4  }
.LBB2_1:
0x1b: {  	[dreg:$0xf] =	wrdreg s12  }
0x1c: {  	s9 =	rddreg [dreg:$0x3];
	s12 =	simm.s32 $0xB  }
0x1d: {  	[tilespmem:s2], [sflag:$0xB] =	stream.linear.gather [hbm4b:s9+s2], $0x6400, $0x38;
	[tilespmem:$0x1A400] =	vst v63  }
0x1e: {  	_ =	swait.ge [sflag:s12], $0x6400  }
0x1f: {  	[sflag:s12] =	ssyncset.done $0x0  }
0x20: {  	[sflag:s12] =	ssyncadd.s32 $0xFFFF9C00  }
0x21: {  	[tilespmem:s18], [sflag:$0x1] =	stream.indirect.gather [hbm4b:s3+s17], $0x40, s2, s17, $0xb8;
	[tilespmem:$0x1A400] =	vst v63  }
0x22: {  	_ = 	snop  }
0x23: {  	[tilespmem:s10], [sflag:$0x1] =	stream.indirect.gather [hbm4b:s3+s17], $0x40, s17, s17, $0xb8;
	[tilespmem:$0x1A400] =	vst v63  }
0x24: {  	s14 =	simm.s32 $0x100  }
0x25: {  	[tilespmem:s21], [sflag:$0x2] =	stream.indirect.gather [hbm4b:s3+s17], $0x40, s14, s17, $0xb8;
	[tilespmem:$0x1A400] =	vst v63  }
0x26: {  	s15 =	simm.s32 $0x180  }
0x27: {  	[tilespmem:s11], [sflag:$0x2] =	stream.indirect.gather [hbm4b:s3+s17], $0x40, s15, s17, $0xb8;
	[tilespmem:$0x1A400] =	vst v63  }
0x28: {  	s16 =	simm.s32 $0x200  }
0x29: {  	[tilespmem:s25], [sflag:$0x3] =	stream.indirect.gather [hbm4b:s3+s17], $0x40, s16, s17, $0xb8;
	[tilespmem:$0x1A400] =	vst v63  }
0x2a: {  	s12 =	simm.s32 $0x280  }
0x2b: {  	[tilespmem:s1], [sflag:$0x3] =	stream.indirect.gather [hbm4b:s3+s17], $0x40, s12, s17, $0xb8;
	[tilespmem:$0x1A400] =	vst v63  }
0x2c: {  	s14 =	simm.s32 $0x300  }
0x2d: {  	[tilespmem:s30], [sflag:$0x4] =	stream.indirect.gather [hbm4b:s3+s17], $0x40, s14, s17, $0xb8;
	[tilespmem:$0x1A400] =	vst v63  }
0x2e: {  	s15 =	simm.s32 $0x380  }
0x2f: {  	[tilespmem:s13], [sflag:$0x4] =	stream.indirect.gather [hbm4b:s3+s17], $0x40, s15, s17, $0xb8;
	[tilespmem:$0x1A400] =	vst v63  }
0x30: {  	s16 =	simm.s32 $0x400  }
0x31: {  	[tilespmem:s20], [sflag:$0x5] =	stream.indirect.gather [hbm4b:s3+s17], $0x40, s16, s17, $0xb8;
	[tilespmem:$0x1A400] =	vst v63  }
0x32: {  	s12 =	simm.s32 $0x480  }
0x33: {  	[tilespmem:s19], [sflag:$0x5] =	stream.indirect.gather [hbm4b:s3+s17], $0x40, s12, s17, $0xb8;
	[tilespmem:$0x1A400] =	vst v63  }
0x34: {  	_ =	swait.ge [sflag:s26], $0x4000  }
0x35: {  	[sflag:s26] =	ssyncset.done $0x0  }
0x36: {  	s14 =	rddreg [dreg:$0x4];
	[sflag:s26] =	ssyncadd.s32 $0xFFFFC000  }
0x37: {  	[hbm4b:s14+s2] =	stream.linear.scatter [tilespmem:s18], [sflag:$0x6], $0x4000, $0x38;
	[tilespmem:$0x1A400] =	vst v63  }
0x38: {  	_ =	swait.ge [sflag:s29], $0x4000  }
0x39: {  	[sflag:s29] =	ssyncset.done $0x0  }
0x3a: {  	s15 =	simm.s32 $0x500;
	[sflag:s29] =	ssyncadd.s32 $0xFFFFC000  }
0x3b: {  	[tilespmem:s18], [sflag:$0x1] =	stream.indirect.gather [hbm4b:s3+s17], $0x40, s15, s17, $0xb8;
	[tilespmem:$0x1A400] =	vst v63  }
0x3c: {  	s16 =	simm.s32 $0x580  }
0x3d: {  	[tilespmem:s10], [sflag:$0x1] =	stream.indirect.gather [hbm4b:s3+s17], $0x40, s16, s17, $0xb8;
	[tilespmem:$0x1A400] =	vst v63  }
0x3e: {  	_ =	swait.ge [sflag:s31], $0x4000  }
0x3f: {  	[sflag:s31] =	ssyncset.done $0x0  }
0x40: {  	s12 =	rddreg [dreg:$0xd];
	[sflag:s31] =	ssyncadd.s32 $0xFFFFC000  }
0x41: {  	[hbm4b:s12+s2] =	stream.linear.scatter [tilespmem:s21], [sflag:$0x7], $0x4000, $0x38;
	[tilespmem:$0x1A400] =	vst v63  }
0x42: {  	_ =	swait.ge [sflag:s0], $0x4000  }
0x43: {  	[sflag:s0] =	ssyncset.done $0x0  }
0x44: {  	s10 =	simm.s32 $0x600;
	[sflag:s0] =	ssyncadd.s32 $0xFFFFC000  }
0x45: {  	[tilespmem:s21], [sflag:$0x2] =	stream.indirect.gather [hbm4b:s3+s17], $0x40, s10, s17, $0xb8;
	[tilespmem:$0x1A400] =	vst v63  }
0x46: {  	s14 =	simm.s32 $0x680  }
0x47: {  	[tilespmem:s11], [sflag:$0x2] =	stream.indirect.gather [hbm4b:s3+s17], $0x40, s14, s17, $0xb8;
	[tilespmem:$0x1A400] =	vst v63  }
0x48: {  	_ =	swait.ge [sflag:s22], $0x4000  }
0x49: {  	[sflag:s22] =	ssyncset.done $0x0  }
0x4a: {  	s11 =	rddreg [dreg:$0xc];
	[sflag:s22] =	ssyncadd.s32 $0xFFFFC000  }
0x4b: {  	[hbm4b:s11+s2] =	stream.linear.scatter [tilespmem:s25], [sflag:$0x8], $0x4000, $0x38;
	[tilespmem:$0x1A400] =	vst v63  }
0x4c: {  	_ =	swait.ge [sflag:s4], $0x4000  }
0x4d: {  	[sflag:s4] =	ssyncset.done $0x0  }
0x4e: {  	s15 =	simm.s32 $0x700;
	[sflag:s4] =	ssyncadd.s32 $0xFFFFC000  }
0x4f: {  	[tilespmem:s25], [sflag:$0x3] =	stream.indirect.gather [hbm4b:s3+s17], $0x40, s15, s17, $0xb8;
	[tilespmem:$0x1A400] =	vst v63  }
0x50: {  	s16 =	simm.s32 $0x780  }
0x51: {  	[tilespmem:s1], [sflag:$0x3] =	stream.indirect.gather [hbm4b:s3+s17], $0x40, s16, s17, $0xb8;
	[tilespmem:$0x1A400] =	vst v63  }
0x52: {  	_ =	swait.ge [sflag:s5], $0x4000  }
0x53: {  	[sflag:s5] =	ssyncset.done $0x0  }
0x54: {  	s14 =	rddreg [dreg:$0xb];
	[sflag:s5] =	ssyncadd.s32 $0xFFFFC000  }
0x55: {  	[hbm4b:s14+s2] =	stream.linear.scatter [tilespmem:s30], [sflag:$0x9], $0x4000, $0x38;
	[tilespmem:$0x1A400] =	vst v63  }
0x56: {  	_ =	swait.ge [sflag:s6], $0x4000  }
0x57: {  	[sflag:s6] =	ssyncset.done $0x0  }
0x58: {  	s1 =	simm.s32 $0x800;
	[sflag:s6] =	ssyncadd.s32 $0xFFFFC000  }
0x59: {  	[tilespmem:s30], [sflag:$0x4] =	stream.indirect.gather [hbm4b:s3+s17], $0x40, s1, s17, $0xb8;
	[tilespmem:$0x1A400] =	vst v63  }
0x5a: {  	s10 =	simm.s32 $0x880  }
0x5b: {  	[tilespmem:s13], [sflag:$0x4] =	stream.indirect.gather [hbm4b:s3+s17], $0x40, s10, s17, $0xb8;
	[tilespmem:$0x1A400] =	vst v63  }
0x5c: {  	_ =	swait.ge [sflag:s7], $0x4000  }
0x5d: {  	[sflag:s7] =	ssyncset.done $0x0  }
0x5e: {  	s13 =	rddreg [dreg:$0xa];
	[sflag:s7] =	ssyncadd.s32 $0xFFFFC000  }
0x5f: {  	[hbm4b:s13+s2] =	stream.linear.scatter [tilespmem:s20], [sflag:$0xA], $0x4000, $0x38;
	[tilespmem:$0x1A400] =	vst v63  }
0x60: {  	_ =	swait.ge [sflag:s8], $0x4000  }
0x61: {  	[sflag:s8] =	ssyncset.done $0x0  }
0x62: {  	s15 =	simm.s32 $0x900;
	[sflag:s8] =	ssyncadd.s32 $0xFFFFC000  }
0x63: {  	[tilespmem:s20], [sflag:$0x5] =	stream.indirect.gather [hbm4b:s3+s17], $0x40, s15, s17, $0xb8;
	[tilespmem:$0x1A400] =	vst v63  }
0x64: {  	s12 =	sadd.s32 $0x2800, s12;
	s11 =	sadd.s32 $0x2800, s11;
	s16 =	simm.s32 $0x980  }
0x65: {  	[tilespmem:s19], [sflag:$0x5] =	stream.indirect.gather [hbm4b:s3+s17], $0x40, s16, s17, $0xb8;
	[tilespmem:$0x1A400] =	vst v63  }
0x66: {  	s14 =	sadd.s32 $0x2800, s14;
	s1 =	simm.s32 $0x10400;
	_ =	swait.ge [sflag:s26], $0x4000  }
0x67: {  	s10 =	simm.s32 $0x1400;
	s15 =	rddreg [dreg:$0xe];
	[sflag:s26] =	ssyncset.done $0x0  }
0x68: {  	s13 =	sadd.s32 $0x2800, s13;
	s16 =	sadd.s32 $0x2800, s15;
	[sflag:s26] =	ssyncadd.s32 $0xFFFFC000  }
.LBB2_2:
0x69: {  	[hbm4b:s15+s2] =	stream.linear.scatter [tilespmem:s18], [sflag:$0x6], $0x4000, $0x38;
	[tilespmem:$0x1A400] =	vst v63  }
0x6a: {  	s9 =	smov.u32 s10;
	s15 =	smov.u32 s16  }
0x6b: {  	p0 =	sne.s32 s10, $0x16800;
	s10 =	sadd.s32 $0x1400, s10;
	_ =	swait.ge [sflag:s29], $0x4000  }
0x6c: {  	s9 =	sshra.s32 s9, $0x2;
	[sflag:s29] =	ssyncset.done $0x0  }
0x6d: {  	s19 =	sadd.s32 $0x500, s9;
	[sflag:s29] =	ssyncadd.s32 $0xFFFFC000  }
0x6e: {  	[tilespmem:s18], [sflag:$0x1] =	stream.indirect.gather [hbm4b:s3+s17], $0x40, s19, s17, $0xb8;
	[tilespmem:$0x1A400] =	vst v63  }
0x6f: {  	s19 =	sadd.s32 $0x580, s9  }
0x70: {  	[tilespmem:s23], [sflag:$0x1] =	stream.indirect.gather [hbm4b:s3+s17], $0x40, s19, s17, $0xb8;
	[tilespmem:$0x1A400] =	vst v63  }
0x71: {  	_ =	swait.ge [sflag:s31], $0x4000  }
0x72: {  	[sflag:s31] =	ssyncset.done $0x0  }
0x73: {  	[sflag:s31] =	ssyncadd.s32 $0xFFFFC000  }
0x74: {  	[hbm4b:s12+s2] =	stream.linear.scatter [tilespmem:s21], [sflag:$0x7], $0x4000, $0x38;
	[tilespmem:$0x1A400] =	vst v63  }
0x75: {  	_ =	swait.ge [sflag:s0], $0x4000  }
0x76: {  	[sflag:s0] =	ssyncset.done $0x0  }
0x77: {  	s19 =	sadd.s32 $0x600, s9;
	[sflag:s0] =	ssyncadd.s32 $0xFFFFC000  }
0x78: {  	[tilespmem:s21], [sflag:$0x2] =	stream.indirect.gather [hbm4b:s3+s17], $0x40, s19, s17, $0xb8;
	[tilespmem:$0x1A400] =	vst v63  }
0x79: {  	s19 =	sadd.s32 $0x680, s9  }
0x7a: {  	[tilespmem:s28], [sflag:$0x2] =	stream.indirect.gather [hbm4b:s3+s17], $0x40, s19, s17, $0xb8;
	[tilespmem:$0x1A400] =	vst v63  }
0x7b: {  	_ =	swait.ge [sflag:s22], $0x4000  }
0x7c: {  	[sflag:s22] =	ssyncset.done $0x0  }
0x7d: {  	[sflag:s22] =	ssyncadd.s32 $0xFFFFC000  }
0x7e: {  	[hbm4b:s11+s2] =	stream.linear.scatter [tilespmem:s25], [sflag:$0x8], $0x4000, $0x38;
	[tilespmem:$0x1A400] =	vst v63  }
0x7f: {  	_ =	swait.ge [sflag:s4], $0x4000  }
0x80: {  	[sflag:s4] =	ssyncset.done $0x0  }
0x81: {  	s19 =	sadd.s32 $0x700, s9;
	[sflag:s4] =	ssyncadd.s32 $0xFFFFC000  }
0x82: {  	[tilespmem:s25], [sflag:$0x3] =	stream.indirect.gather [hbm4b:s3+s17], $0x40, s19, s17, $0xb8;
	[tilespmem:$0x1A400] =	vst v63  }
0x83: {  	s19 =	sadd.s32 $0x780, s9  }
0x84: {  	[tilespmem:s1], [sflag:$0x3] =	stream.indirect.gather [hbm4b:s3+s17], $0x40, s19, s17, $0xb8;
	[tilespmem:$0x1A400] =	vst v63  }
0x85: {  	_ =	swait.ge [sflag:s5], $0x4000  }
0x86: {  	[sflag:s5] =	ssyncset.done $0x0  }
0x87: {  	[sflag:s5] =	ssyncadd.s32 $0xFFFFC000  }
0x88: {  	[hbm4b:s14+s2] =	stream.linear.scatter [tilespmem:s30], [sflag:$0x9], $0x4000, $0x38;
	[tilespmem:$0x1A400] =	vst v63  }
0x89: {  	_ =	swait.ge [sflag:s6], $0x4000  }
0x8a: {  	[sflag:s6] =	ssyncset.done $0x0  }
0x8b: {  	s19 =	sadd.s32 $0x800, s9;
	[sflag:s6] =	ssyncadd.s32 $0xFFFFC000  }
0x8c: {  	[tilespmem:s30], [sflag:$0x4] =	stream.indirect.gather [hbm4b:s3+s17], $0x40, s19, s17, $0xb8;
	[tilespmem:$0x1A400] =	vst v63  }
0x8d: {  	s19 =	sadd.s32 $0x880, s9  }
0x8e: {  	[tilespmem:s24], [sflag:$0x4] =	stream.indirect.gather [hbm4b:s3+s17], $0x40, s19, s17, $0xb8;
	[tilespmem:$0x1A400] =	vst v63  }
0x8f: {  	_ =	swait.ge [sflag:s7], $0x4000  }
0x90: {  	[sflag:s7] =	ssyncset.done $0x0  }
0x91: {  	[sflag:s7] =	ssyncadd.s32 $0xFFFFC000  }
0x92: {  	[hbm4b:s13+s2] =	stream.linear.scatter [tilespmem:s20], [sflag:$0xA], $0x4000, $0x38;
	[tilespmem:$0x1A400] =	vst v63  }
0x93: {  	_ =	swait.ge [sflag:s8], $0x4000  }
0x94: {  	[sflag:s8] =	ssyncset.done $0x0  }
0x95: {  	s19 =	sadd.s32 $0x900, s9;
	[sflag:s8] =	ssyncadd.s32 $0xFFFFC000  }
0x96: {  	[tilespmem:s20], [sflag:$0x5] =	stream.indirect.gather [hbm4b:s3+s17], $0x40, s19, s17, $0xb8;
	[tilespmem:$0x1A400] =	vst v63  }
0x97: {  	s19 =	simm.s32 $0x18400  }
.Ltmp0:
0x98: {  	s9 =	sadd.s32 $0x980, s9;
	(pc) =	sbr.rel @p0 .LBB2_2-.Ltmp0, $4  }
0x99: {  	[tilespmem:s19], [sflag:$0x5] =	stream.indirect.gather [hbm4b:s3+s17], $0x40, s9, s17, $0xb8;
	[tilespmem:$0x1A400] =	vst v63  }
0x9a: {  	s16 =	sadd.s32 $0x2800, s16;
	_ =	swait.ge [sflag:s26], $0x4000  }
0x9b: {  	s12 =	sadd.s32 $0x2800, s12;
	s11 =	sadd.s32 $0x2800, s11;
	[sflag:s26] =	ssyncset.done $0x0  }
0x9c: {  	s14 =	sadd.s32 $0x2800, s14;
	s13 =	sadd.s32 $0x2800, s13;
	[sflag:s26] =	ssyncadd.s32 $0xFFFFC000  }
0x9d: {  	[hbm4b:s15+s2] =	stream.linear.scatter [tilespmem:s18], [sflag:$0x6], $0x4000, $0x38;
	[tilespmem:$0x1A400] =	vst v63  }
0x9e: {  	_ =	swait.ge [sflag:s31], $0x4000  }
0x9f: {  	[sflag:s31] =	ssyncset.done $0x0  }
0xa0: {  	s9 =	rddreg [dreg:$0x5];
	[sflag:s31] =	ssyncadd.s32 $0xFFFFC000  }
0xa1: {  	[hbm4b:s9+s2] =	stream.linear.scatter [tilespmem:s21], [sflag:$0x7], $0x4000, $0x38;
	[tilespmem:$0x1A400] =	vst v63  }
0xa2: {  	_ =	swait.ge [sflag:s22], $0x4000  }
0xa3: {  	[sflag:s22] =	ssyncset.done $0x0  }
0xa4: {  	s13 =	rddreg [dreg:$0x6];
	[sflag:s22] =	ssyncadd.s32 $0xFFFFC000  }
0xa5: {  	[hbm4b:s13+s2] =	stream.linear.scatter [tilespmem:s25], [sflag:$0x8], $0x4000, $0x38;
	[tilespmem:$0x1A400] =	vst v63  }
0xa6: {  	_ =	swait.ge [sflag:s5], $0x4000  }
0xa7: {  	[sflag:s5] =	ssyncset.done $0x0  }
0xa8: {  	s14 =	rddreg [dreg:$0x7];
	[sflag:s5] =	ssyncadd.s32 $0xFFFFC000  }
0xa9: {  	[hbm4b:s14+s2] =	stream.linear.scatter [tilespmem:s30], [sflag:$0x9], $0x4000, $0x38;
	[tilespmem:$0x1A400] =	vst v63  }
0xaa: {  	_ =	swait.ge [sflag:s7], $0x4000  }
0xab: {  	[sflag:s7] =	ssyncset.done $0x0  }
0xac: {  	s15 =	rddreg [dreg:$0x8];
	[sflag:s7] =	ssyncadd.s32 $0xFFFFC000  }
0xad: {  	[hbm4b:s15+s2] =	stream.linear.scatter [tilespmem:s20], [sflag:$0xA], $0x4000, $0x38;
	[tilespmem:$0x1A400] =	vst v63  }
0xae: {  	_ =	swait.ge [sflag:s29], $0x4000  }
0xaf: {  	[sflag:s29] =	ssyncset.done $0x0  }
0xb0: {  	[sflag:s29] =	ssyncadd.s32 $0xFFFFC000  }
0xb1: {  	_ =	swait.ge [sflag:s0], $0x4000  }
0xb2: {  	[sflag:s0] =	ssyncset.done $0x0  }
0xb3: {  	[sflag:s0] =	ssyncadd.s32 $0xFFFFC000  }
0xb4: {  	_ =	swait.ge [sflag:s4], $0x4000  }
0xb5: {  	[sflag:s4] =	ssyncset.done $0x0  }
0xb6: {  	[sflag:s4] =	ssyncadd.s32 $0xFFFFC000  }
0xb7: {  	_ =	swait.ge [sflag:s6], $0x4000  }
0xb8: {  	[sflag:s6] =	ssyncset.done $0x0  }
0xb9: {  	[sflag:s6] =	ssyncadd.s32 $0xFFFFC000  }
0xba: {  	_ =	swait.ge [sflag:s8], $0x4000  }
0xbb: {  	s12 =	rddreg [dreg:$0xf]  }
0xbc: {  	s16 =	rddreg [dreg:$0x9];
	s12 =	sadd.s32 $0x1, s12  }
0xbd: {  	p0 =	sne.s32 s12, s16  }
.Ltmp1:
0xbe: {  	_ = 	snop;
	(pc) =	sbr.rel @p0 .LBB2_1-.Ltmp1, $3  }
0xbf: {  	_ =	sdelay $0x1  }
0xc0: {  	s10 =	simm.s32 $0x8400;
	s11 =	simm.s32 $0xC400;
	[sflag:s8] =	ssyncset.done $0x0  }
0xc1: {  	s1 =	simm.s32 $0x10400;
	s13 =	simm.s32 $0x14400;
	[sflag:s8] =	ssyncadd.s32 $0xFFFFC000  }
0xc2: {  	_ =	sfence.sel $0x180000  }
0xc3: {  	[bflag:$0x0] =	sbarrier.arrive $0xFFFF  }
0xc4: {  	_ =	strace $0x90000047  }
0xc5: {  	s0 =	stileid.u32;
	[bflag:$0x2] =	sbarrier.arrive $0xFFFF  }
0xc6: {  	p0 =	sne.s32 s0, $0x0;
	s0 =	rddreg [dreg:$0x2]  }
0xc7: {  	s0 =	sadd.s32 @!p0 $0x100000, s0  }
0xc8: {  	[sflag:s0] =	ssyncadd.tile.s32 @!p0 $0x1;
	_ =	shalt  }
.Lfunc_end2:
_tile_overlayer_lowered:
.L_overlay_start_2:
0xc9: {  	(tag) =	ssettag $0x2  }
0xca: {  	s0 =	rddreg [dreg:$0x0];
	s2 =	stileid.u32  }
0xcb: {  	s1 =	rddreg [dreg:$0x1];
	p0 =	sne.s32 s2, $0x0  }
0xcc: {  	s3 =	rddreg [dreg:$0x2];
	[bflag:$0x3] =	sbarrier.arrive $0xFFFF;
	s2 =	simm.s32 @!p0 $0x1C0B  }
0xcd: {  	[timem:s3], [sflag:s2] =	dma.local @!p0 [hbm:s0], s1  }
0xce: {  	s0 =	simm.s32 @!p0 $0xB  }
0xcf: {  	_ =	swait.ge @!p0 [sflag:s0], s1  }
0xd0: {  	s1 =	ssub.s32 @!p0 $0x0, s1;
	[sflag:s0] =	ssyncset.done @!p0 $0x0  }
0xd1: {  	[sflag:s0] =	ssyncadd.s32 @!p0 s1  }
0xd2: {  	[bflag:$0x3] =	sbarrier.arrive $0xFFFF  }
0xd3: {  	_ =	shalt  }

// kernel: sparse-core-data-format-call.cloned.1.call-start
scs
called_computation_lowered:
.L_overlay_start_0:
0x0: {  	s2 =	sld [smem:$0x3FD9]  }
0x1: {  	s3 =	sld [smem:$0x3FFE];
	_ =	sdelay $0x1  }
0x2: {  	s1 =	srdreg.scid  }
0x3: {  	s0 =	sand.u32 $0x1, s1  }
0x4: {  	s18 =	sshll.u32 s0, $0xA;
	s2 =	sadd.s32 s3, s2  }
0x5: {  	s2 =	sadd.s32 s2, s18  }
0x6: {  	[smem:$0x3FC6] =	sst s2  }
0x7: {  	_ = 	snop  }
0x8: {  	s2 =	sld [smem:$0x3FD0];
	(tm) =	ssettm $0x1  }
0x9: {  	s19 =	sld [smem:$0x3FFB];
	_ =	sdelay $0x3  }
0xa: {  	_ =	strace s19  }
0xb: {  	s3 =	sld [smem:$0x3FFC];
	_ =	sdelay $0x3  }
0xc: {  	_ =	strace s3  }
0xd: {  	s3 =	sld [smem:$0x3FFD];
	_ =	sdelay $0x3  }
0xe: {  	_ =	strace s3  }
0xf: {  	_ =	strace $0x8FFFFFFF  }
0x10: {  	s20 =	sld [smem:$0x3FDB];
	_ =	sdelay $0x1  }
0x11: {  	s4 =	simm.s32 $_scs_section_size  }
0x12: {  	s5 =	simm.s32 $_size__tile_overlayer_lowered;
	s6 =	simm.s32 $_tile_overlayer_lowered  }
0x13: {  	s23 =	simm.s32 $0x1BFF;
	s22 =	sshll.u32 s6, $0x1;
	s3 =	sadd.s32 s4, s20  }
0x14: {  	s7 =	simm.s32 $0x0;
	s21 =	sshll.u32 s5, $0x1;
	s5 =	sadd.s32 s22, s3  }
0x15: {  	[timem:s7], [sflag:s23] =	dma.local [hbm:s5], s21  }
0x16: {  	_ =	swait.ge [sflag:s23], s21  }
0x17: {  	s4 =	ssub.s32 $0x0, s21;
	[sflag:s23] =	ssyncset.done $0x0  }
0x18: {  	[sflag:s23] =	ssyncadd.s32 s4;
	_ =	sdelay $0x1  }
0x19: {  	s24 =	simm.s32 $0x1B8B  }
0x1a: {  	_ =	swait.ge [sflag:s24], $0x1  }
0x1b: {  	[sflag:s24] =	ssyncset.done $0x0  }
0x1c: {  	s26 =	simm.s32 $0x1B8E;
	s25 =	sld [smem:$0x3FFE];
	[sflag:s24] =	ssyncadd.s32 $0xFFFFFFFF  }
0x1d: {  	s27 =	simm.s32 $execute0_lowered;
	[smem:$0x3FD2] =	sst s26  }
0x1e: {  	s5 =	sshll.u32 s27, $0x1;
	_ =	strace $0x80000049;
	[dreg:$0x1] =	wrdreg $0xFFFFFFFF  }
0x1f: {  	s28 =	simm.s32 $_size_execute0_lowered;
	s3 =	sadd.s32 s3, s5;
	[dreg:$0x0] =	wrdreg $0x0  }
0x20: {  	s5 =	sshll.u32 s28, $0x1;
	[dreg:$0x2] =	wrdreg s3  }
0x21: {  	[dreg:$0x3] =	wrdreg s5  }
0x22: {  	[dreg:$0x4] =	wrdreg $0xC0  }
0x23: {  	_ =	task [dreg:s7], $0x5FFFF  }
0x24: {  	[dreg:$0x1] =	wrdreg $0xFFFFFFFF  }
0x25: {  	[dreg:$0x0] =	wrdreg $0x60  }
0x26: {  	[dreg:$0x2] =	wrdreg s25  }
0x27: {  	[dreg:$0x3] =	wrdreg s2  }
0x28: {  	[dreg:$0x4] =	wrdreg $0x9  }
0x29: {  	_ =	task.clear_ibuf [dreg:s7], $0x5FFFF;
	_ =	strace $0x90000049  }
0x2a: {  	s29 =	simm.s32 $0x9;
	_ =	strace $0x8000004B  }
0x2b: {  	_ =	swait.ge [sflag:s29], $0x1  }
0x2c: {  	[sflag:s29] =	ssyncadd.s32 $0xFFFFFFFF  }
0x2d: {  	_ =	strace $0x9000004B  }
0x2e: {  	_ =	sfence  }
0x2f: {  	s30 =	sld [smem:$0x0];
	_ =	sdelay $0x2  }
0x30: {  	s31 =	sshll.u32 s1, $0xD;
	s1 =	sshrl.u32 s1, $0x2  }
0x31: {  	s3 =	sand.u32 $0x4000, s31;
	s1 =	sadd.s32 s1, s30  }
0x32: {  	s0 =	sor.u32 s3, s0;
	s1 =	sshll.u32 s1, $0x11  }
0x33: {  	s0 =	sor.u32 s1, s0  }
0x34: {  	s0 =	sadd.s32 $0x8F2B, s0  }
0x35: {  	[sflag:s0] =	ssyncadd.remote.s32 $0x1  }
0x36: {  	_ =	sfence.sel $0xFFFF  }
0x37: {  	[dreg:$0x0] =	wrdreg $0xFFFFFFFF;
	(pc) =	sbr.abs _section_cstart, $3  }
0x38: {  	[dreg:$0x1] =	wrdreg $0xFFFFFFFF  }
0x39: {  	_ =	task.clear_ibuf [dreg:s7], $0x2FFFF;
	_ =	strace $0x9FFFFFFF  }
0x3a: {  	(tm) =	ssettm $0x7FFFFFFF  }
0x3b: {  	_ =	shalt  }
tec
execute0_lowered:
.L_overlay_start_1:
0x0: {  	(tag) =	ssettag $0x1  }
0x1: {  	s0 =	srdreg.scid  }
0x2: {  	s1 =	sshll.u32 s0, $0x4  }
0x3: {  	s0 =	stileid.u32;
	s1 =	sand.u32 $0x10, s1  }
0x4: {  	s1 =	sor.u32 s0, s1  }
0x5: {  	s6 =	rddreg [dreg:$0x0];
	s4 =	simm.s32 $0x1;
	s2 =	sshll.u32 s1, $0x7  }
0x6: {  	s7 =	simm.s32 $0x2;
	s12 =	simm.s32 $0x0;
	s1 =	ssub.s32 $0x1000, s2  }
0x7: {  	s8 =	simm.s32 $0x8000;
	s13 =	simm.s32 $0x0;
	s3 =	sand.u32 $0xF80, s1  }
0x8: {  	s9 =	simm.s32 $0x0;
	s5 =	sshrl.u32 s1, $0xC;
	p0 =	sne.s32 s3, $0x0  }
.Ltmp0:
0x9: {  	s1 =	rddreg [dreg:$0x2];
	s4 =	simm.s32 @!p0 $0x0;
	(pc) =	sbr.rel .LBB1_1-.Ltmp0, $4  }
0xa: {  	s11 =	simm.s32 $0x0;
	s3 =	rddreg [dreg:$0x1];
	s5 =	sadd.s32 s4, s5  }
0xb: {  	_ =	strace $0x8000004A;
	s4 =	simm.s32 $0x1;
	s5 =	smul.u32 $0xC8, s5  }
0xc: {  	s6 =	sadd.s32 $0xA00, s6;
	s10 =	smov.u32 s2;
	[sflag:s4] =	ssyncpa.u1 $0x0  }
0xd: {  	p0 =	por $0x0, $0x0;
	[sflag:s7] =	ssyncpa.u1 $0x0;
	s7 =	sor.u32 $0x1, s5  }
.LBB1_4:
0xe: {  	s16 =	sshll.u32 s13, $0x3;
	s17 =	sand.u32 $0x78, s13  }
0xf: {  	s30 =	sand.u32 $0x7E00, s13;
	s12 =	sshll.u32 s12, $0xF;
	s16 =	sand.u32 $0xC00, s16  }
0x10: {  	[tilespmem:s15+$0x810 ss:$0x81] =	vst.msk $0xffff, v2;
	s31 =	sand.u32 $0x7, s13;
	s16 =	sor.u32 s17, s16;
	s17 =	sadd.s32 s3, s30  }
0x11: {  	[tilespmem:s15+$0x1020 ss:$0x81] =	vst.msk $0xffff, v0;
	s13 =	sshll.u32 s31, $0x12;
	s12 =	sadd.s32 s12, s17;
	s16 =	sshrl.u32 s16, $0x3  }
0x12: {  	[tilespmem:s15+$0x0 ss:$0x81] =	vst.msk $0xffff, v1;
	s13 =	sor.u32 $0x400, s13;
	s12 =	sadd.s32 s16, s12  }
0x13: {  	[hbm4b:s12+s13] =	stream.strided.scatter [tilespmem:s14], [sflag:$0x2], $0x2000, s8, s13, $0x20;
	[tilespmem:$0x8080] =	vst v63  }
.LBB1_5:
0x14: {  	s14 =	sadd.s32 $0x1, s9  }
0x15: {  	s12 =	sadd.s32 $0x1000, s10;
	s16 =	smov.u32 s10;
	p2 =	sgt.s32 s14, $0xC7  }
0x16: {  	s16 =	smov.u32 @p2 s12  }
0x17: {  	s14 =	simm.s32 @p2 $0x0;
	p2 =	sgt.s32 s16, $0xFFF  }
0x18: {  	s16 =	smov.u32 @p2 s2;
	p2 =	sne.s32 s11, s7  }
.Ltmp1:
0x19: {  	p1 =	slt.u32 s11, $0x2;
	(pc) =	sbr.rel @!p2 .LBB1_6-.Ltmp1, $4  }
0x1a: {  	s15 =	simm.s32 @!p1 $0x2  }
0x1b: {  	s13 =	smov.u32 s10;
	p0 =	por !p0, !p0;
	_ =	swait.ge @!p1 [sflag:s15], $0x2000  }
0x1c: {  	s12 =	smov.u32 s9;
	[sflag:s15] =	ssyncset.done @!p1 $0x0;
	s9 =	smov.u32 s14  }
0x1d: {  	s11 =	sadd.s32 $0x1, s11;
	[sflag:s15] =	ssyncadd.s32 @!p1 $0xFFFFE000;
	s10 =	smov.u32 s16  }
.LBB1_1:
0x1e: {  	p1 =	sge.u32 s11, s5  }
0x1f: {  	s14 =	sand.u32 @!p1 $0x1FFFFFF, s9  }
0x20: {  	s15 =	smulhi.u32 @!p1 $0x147AE15, s14;
	_ =	sdelay $0x1  }
0x21: {  	s15 =	smul.u32 @!p1 $0xC8, s15  }
0x22: {  	s16 =	sxor.u32 @!p1 $0xFFFFFFFF, s11;
	s17 =	smul.u32 @!p1 $0xC80, s10  }
0x23: {  	s31 =	sadd.s32 $0xFFFFFFFF, s11;
	s16 =	sshll.u32 @!p1 s16, $0xD;
	s14 =	ssub.s32 @!p1 s14, s15  }
0x24: {  	s15 =	sand.u32 @!p1 $0x2000, s16;
	s16 =	sadd.s32 @!p1 s6, s17;
	s14 =	sshll.u32 @!p1 s14, $0x4  }
0x25: {  	s17 =	simm.s32 @!p1 $0x6400;
	s14 =	sadd.s32 @!p1 s14, s16;
	s16 =	simm.s32 @!p1 $0x40  }
0x26: {  	[tilespmem:s15], [sflag:$0x1] =	stream.strided.gather @!p1 [hbm4b:s14+s16], $0x2000, s17, s16, $0x38;
	[tilespmem:$0x8080] =	vst v63  }
0x27: {  	p1 =	sge.u32 s31, s5  }
.Ltmp2:
0x28: {  	_ = 	snop;
	(pc) =	sbr.rel @p1 .LBB1_5-.Ltmp2, $1  }
0x29: {  	_ =	sdelay $0x3  }
0x2a: {  	s14 =	simm.s32 $0x1  }
0x2b: {  	_ =	swait.ge [sflag:s4], $0x2000;
	s14 =	simm.s32 @!p0 $0x0  }
0x2c: {  	[sflag:s4] =	ssyncset.done $0x0;
	s15 =	sshll.u32 s14, $0xD  }
0x2d: {  	[sflag:s4] =	ssyncadd.s32 $0xFFFFE000;
	s18 =	sor.u32 $0x20, s15  }
0x2e: {  	s14 =	smul.u32 $0x8100, s14;
	v3 =	vld [tilespmem:s18+$0x10]  }
0x2f: {  	s30 =	sand.u32 $0x1, s11;
	v2 =	vld [tilespmem:s18+$0xFFFFFFF0]  }
0x30: {  	s15 =	smul.u32 $0x8100, s30;
	s14 =	sshrl.u32 s14, $0x2;
	v0 =	vld [tilespmem:s18+$0x0]  }
0x31: {  	v1 =	vld [tilespmem:s18+$0xFFFFFFE0];
	s16 =	sor.u32 $0x4000, s14  }
0x32: {  	s31 =	sshrl.u32 s15, $0x2;
	s15 =	sadd.s32 $0x0, s16  }
0x33: {  	s17 =	simm.s32 $0x4;
	s18 =	sadd.s32 $0x40, s18;
	s14 =	sor.u32 $0x4000, s31;
	[tilespmem:s15+$0x1830 ss:$0x81] =	vst.msk $0xffff, v3  }
.LBB1_3:
0x34: {  	v3 =	vld [tilespmem:s18+$0x10];
	p1 =	sne.s32 s17, $0x1FC;
	[tilespmem:s15+$0x810 ss:$0x81] =	vst.msk $0xffff, v2;
	s19 =	smov.u32 s17;
	s17 =	sadd.s32 $0x4, s17  }
.Ltmp3:
0x35: {  	v2 =	vld [tilespmem:s18+$0xFFFFFFF0];
	[tilespmem:s15+$0x1020 ss:$0x81] =	vst.msk $0xffff, v0;
	(pc) =	sbr.rel @p1 .LBB1_3-.Ltmp3, $4  }
0x36: {  	v0 =	vld [tilespmem:s18+$0x0];
	[tilespmem:s15+$0x0 ss:$0x81] =	vst.msk $0xffff, v1  }
0x37: {  	s15 =	sshra.s32 s19, $0x2;
	v1 =	vld [tilespmem:s18+$0xFFFFFFE0]  }
0x38: {  	s15 =	sadd.s32 s15, s16  }
0x39: {  	s18 =	sadd.s32 $0x40, s18;
	[tilespmem:s15+$0x1830 ss:$0x81] =	vst.msk $0xffff, v3  }
.Ltmp4:
0x3a: {  	_ = 	snop;
	(pc) =	sbr.rel .LBB1_4-.Ltmp4, $1  }
0x3b: {  	_ =	sdelay $0x3  }
.LBB1_6:
0x3c: {  	_ =	sfence.sel $0x180000  }
0x3d: {  	s2 =	simm.s32 $0x1;
	[bflag:$0x0] =	sbarrier.arrive $0xFFFF  }
0x3e: {  	s31 =	simm.s32 $0x2;
	[sflag:s2] =	ssyncpa.u1 $0x1  }
0x3f: {  	[sflag:s31] =	ssyncpa.u1 $0x1  }
0x40: {  	p0 =	sne.s32 s0, $0x0;
	_ =	strace $0x9000004A  }
0x41: {  	s0 =	sadd.s32 @!p0 $0x100000, s1;
	[bflag:$0x2] =	sbarrier.arrive $0xFFFF  }
0x42: {  	[sflag:s0] =	ssyncadd.tile.s32 @!p0 $0x1;
	_ =	shalt  }
.Lfunc_end1:
_tile_overlayer_lowered:
.L_overlay_start_2:
0x43: {  	(tag) =	ssettag $0x2  }
0x44: {  	s0 =	rddreg [dreg:$0x0];
	s2 =	stileid.u32  }
0x45: {  	s1 =	rddreg [dreg:$0x1];
	p0 =	sne.s32 s2, $0x0  }
0x46: {  	s3 =	rddreg [dreg:$0x2];
	[bflag:$0x3] =	sbarrier.arrive $0xFFFF;
	s2 =	simm.s32 @!p0 $0x1C01  }
0x47: {  	[timem:s3], [sflag:s2] =	dma.local @!p0 [hbm:s0], s1  }
0x48: {  	s0 =	simm.s32 @!p0 $0x1  }
0x49: {  	_ =	swait.ge @!p0 [sflag:s0], s1  }
0x4a: {  	s1 =	ssub.s32 @!p0 $0x0, s1;
	[sflag:s0] =	ssyncset.done @!p0 $0x0  }
0x4b: {  	[sflag:s0] =	ssyncadd.s32 @!p0 s1  }
0x4c: {  	[bflag:$0x3] =	sbarrier.arrive $0xFFFF  }
0x4d: {  	_ =	shalt  }

</sc_bundles>
